<compile_context>
chip_gen: v7x
topology: tpu7x:2x2x1
jax: 0.10.2.dev20260603
libtpu: 0.0.44.dev20260713+nightly
codegen_flags: <defaults>
</compile_context>

<pallas_src>
import functools

import jax
from jax import lax
import jax.numpy as jnp
from jax.experimental import pallas as pl
from jax.experimental.pallas import tpu as pltpu
from jax.experimental.pallas import tpu_sc as plsc

_NUM_CORES = 2
_NUM_SUBCORES = 16


def kernel(x, table):
    b, l = x.shape
    _, d = table.shape
    nw = _NUM_CORES * _NUM_SUBCORES
    b_per_w = b // nw
    chunk = 8
    nchunks = b_per_w // chunk
    assert b_per_w * nw == b and chunk * nchunks == b_per_w and nchunks % 2 == 0

    mesh = plsc.VectorSubcoreMesh(core_axis_name="c", subcore_axis_name="s")

    @functools.partial(
        pl.kernel,
        mesh=mesh,
        out_type=jax.ShapeDtypeStruct((b, l, d), table.dtype),
        scratch_types=[
            pltpu.VMEM((b_per_w, l), jnp.int32),
            pltpu.VMEM((chunk, l, d), table.dtype),
            pltpu.VMEM((chunk, l, d), table.dtype),
            pltpu.SemaphoreType.DMA,
            pltpu.SemaphoreType.DMA,
            pltpu.SemaphoreType.DMA,
            pltpu.SemaphoreType.DMA,
        ],
    )
    def gather_kernel(tab_hbm, x_hbm, o_hbm, idx_v, buf0, buf1, g0, g1, o0, o1):
        wid = lax.axis_index("c") * _NUM_SUBCORES + lax.axis_index("s")
        base = wid * b_per_w
        pltpu.sync_copy(x_hbm.at[pl.ds(base, b_per_w)], idx_v)

        bufs = (buf0, buf1)
        gsems = (g0, g1)
        osems = (o0, o1)

        @pl.loop(0, nchunks, step=2)
        def _(g):
            for bi in range(2):
                buf, gsem, osem = bufs[bi], gsems[bi], osems[bi]
                gg = g + bi

                @pl.when(gg >= 2)
                def _():
                    pltpu.make_async_copy(
                        buf, o_hbm.at[pl.ds(base, chunk)], osem
                    ).wait()

                copies = [
                    pltpu.async_copy(
                        tab_hbm.at[idx_v.at[gg * chunk + r]], buf.at[r], gsem
                    )
                    for r in range(chunk)
                ]
                for cp in copies:
                    cp.wait()
                pltpu.async_copy(
                    buf, o_hbm.at[pl.ds(base + gg * chunk, chunk)], osem
                )

        for bi in range(2):
            pltpu.make_async_copy(
                bufs[bi], o_hbm.at[pl.ds(base, chunk)], osems[bi]
            ).wait()

    return gather_kernel(table, x)

# --- scband reference (transcript-rebuilt; emitter-appended) ---
"""Pipeline reference for scband-sequence-embedding-26139170964235 (READ-ONLY COPY).

The authoritative reference and input builder live on the scoring server;
editing this copy changes nothing except your own understanding.
"""

import jax, jax.numpy as jnp
import numpy as np

VOCAB = 100000
EMBED_DIM = 128
PAD_ID = 0  # index of '[PAD]' in the vocabulary
BATCH = 4096
MAX_LEN = 50


def setup_inputs(seed: int = 0) -> dict:
    key = jax.random.key(seed)
    k_idx, k_tab = jax.random.split(key)
    x = jax.random.randint(k_idx, (BATCH, MAX_LEN), 0, VOCAB, dtype=jnp.int64 if jax.config.jax_enable_x64 else jnp.int32)
    table = jax.random.normal(k_tab, (VOCAB, EMBED_DIM), dtype=jnp.float32)
    # nn.Embedding(padding_idx=PAD_ID) zero-initializes (and never updates) the pad row
    table = table.at[PAD_ID].set(0.0)
    return {"x": x, "table": table}


def reference(x, table):
    # SequenceEmbedding.forward: embedded = self.embedding(x)
    embedded = jnp.take(table, x, axis=0)  # (batch, max_len, embed_dim)
    return embedded

if __name__ == "__main__":
    import jax
    _d = setup_inputs()
    print(jax.jit(kernel)(*tuple(_d.values())))

</pallas_src>

<mosaic_0001>
#map = affine_map<(d0, d1) -> (0, 0)>
#map1 = affine_map<(d0, d1) -> (0, 0, 0)>
module attributes {stable_mosaic.version = 14 : i64} {
  func.func @gather_kernel(%arg0: i32, %arg1: i32, %arg2: memref<100000x128xf32, #tpu.memory_space<hbm>>, %arg3: memref<4096x50xi32, #tpu.memory_space<hbm>>, %arg4: memref<4096x50x128xf32, #tpu.memory_space<hbm>>, %arg5: memref<128x50xi32, #tpu.memory_space<vmem>>, %arg6: memref<8x50x128xf32, #tpu.memory_space<vmem>>, %arg7: memref<8x50x128xf32, #tpu.memory_space<vmem>>, %arg8: memref<!tpu.dma_semaphore, #tpu.memory_space<semaphore_mem>>, %arg9: memref<!tpu.dma_semaphore, #tpu.memory_space<semaphore_mem>>, %arg10: memref<!tpu.dma_semaphore, #tpu.memory_space<semaphore_mem>>, %arg11: memref<!tpu.dma_semaphore, #tpu.memory_space<semaphore_mem>>) attributes {dimension_semantics = [#tpu.dimension_semantics<core_parallel>, #tpu.dimension_semantics<subcore_parallel>], iteration_bounds = array<i64: 2, 16>, scalar_prefetch = 0 : i64, scratch_operands = 7 : i64, tpu.core_type = #tpu.core_type<sc_vector_subcore>, window_params = [{transform_indices = #map}, {transform_indices = #map}, {transform_indices = #map1}]} {
    %mul3A = arith.constant 16 : i32
    %mul3A_0 = arith.muli %arg0, %mul3A : i32
    %add3A = arith.addi %mul3A_0, %arg1 : i32
    %mul3A_1 = arith.constant 128 : i32
    %mul3A_2 = arith.muli %add3A, %mul3A_1 : i32
    "tpu.region"() ({
      %run_scoped3A = tpu.sem_alloc : memref<!tpu.dma_semaphore, #tpu.memory_space<semaphore_mem>>
      %dma_start3A = arith.constant 0 : i32
      %dma_start3A_18 = tpu.memref_slice %arg3[%mul3A_2, %dma_start3A] : memref<4096x50xi32, #tpu.memory_space<hbm>> -> memref<128x50xi32, #tpu.memory_space<hbm>>
      %dma_start3A_19 = arith.constant 0 : i32
      %dma_start3A_20 = tpu.memref_slice %arg3[%mul3A_2, %dma_start3A_19] : memref<4096x50xi32, #tpu.memory_space<hbm>> -> memref<128x50xi32, #tpu.memory_space<hbm>>
      tpu.enqueue_dma source(%dma_start3A_20 : memref<128x50xi32, #tpu.memory_space<hbm>>) target(%arg5 : memref<128x50xi32, #tpu.memory_space<vmem>>) target_semaphore(%run_scoped3A : memref<!tpu.dma_semaphore, #tpu.memory_space<semaphore_mem>>)
      %dma_wait3A_21 = arith.constant 0 : i32
      %dma_wait3A_22 = tpu.memref_slice %arg3[%mul3A_2, %dma_wait3A_21] : memref<4096x50xi32, #tpu.memory_space<hbm>> -> memref<128x50xi32, #tpu.memory_space<hbm>>
      %dma_wait3A_23 = arith.constant 0 : i32
      %dma_wait3A_24 = tpu.memref_slice %arg3[%mul3A_2, %dma_wait3A_23] : memref<4096x50xi32, #tpu.memory_space<hbm>> -> memref<128x50xi32, #tpu.memory_space<hbm>>
      tpu.wait_dma2 semaphore(%run_scoped3A : memref<!tpu.dma_semaphore, #tpu.memory_space<semaphore_mem>>) src(%dma_wait3A_24 : memref<128x50xi32, #tpu.memory_space<hbm>>) dst(%arg5 : memref<128x50xi32, #tpu.memory_space<vmem>>)
      tpu.yield
    }) : () -> ()
    %scan3A = arith.constant 0 : i32
    %scan3A_3 = arith.constant 8 : i32
    %scan3A_4 = arith.addi %scan3A, %scan3A_3 : i32
    %scan3A_5 = arith.constant 1 : i32
    scf.for %scan3A_18 = %scan3A to %scan3A_4 step %scan3A_5  : i32 {
      %mul3A_19 = arith.constant 2 : i32
      %mul3A_20 = arith.muli %scan3A_18, %mul3A_19 : i32
      %add3A_21 = arith.constant 0 : i32
      %add3A_22 = arith.addi %add3A_21, %mul3A_20 : i32
      %add3A_23 = arith.constant 0 : i32
      %add3A_24 = arith.addi %add3A_22, %add3A_23 : i32
      %ge3A = arith.constant 2 : i32
      %ge3A_25 = arith.cmpi sge, %add3A_24, %ge3A : i32
      %convert_element_type3A = arith.extui %ge3A_25 : i1 to i32
      %cond3A = arith.constant 0 : i32
      %cond3A_26 = arith.cmpi ne, %convert_element_type3A, %cond3A : i32
      scf.if %cond3A_26 {
        %dma_wait3A_467 = arith.constant 0 : i32
        %dma_wait3A_468 = arith.constant 0 : i32
        %dma_wait3A_469 = tpu.memref_slice %arg4[%mul3A_2, %dma_wait3A_467, %dma_wait3A_468] : memref<4096x50x128xf32, #tpu.memory_space<hbm>> -> memref<8x50x128xf32, #tpu.memory_space<hbm>>
        %dma_wait3A_470 = arith.constant 0 : i32
        %dma_wait3A_471 = arith.constant 0 : i32
        %dma_wait3A_472 = tpu.memref_slice %arg4[%mul3A_2, %dma_wait3A_470, %dma_wait3A_471] : memref<4096x50x128xf32, #tpu.memory_space<hbm>> -> memref<8x50x128xf32, #tpu.memory_space<hbm>>
        tpu.wait_dma2 semaphore(%arg10 : memref<!tpu.dma_semaphore, #tpu.memory_space<semaphore_mem>>) src(%arg6 : memref<8x50x128xf32, #tpu.memory_space<vmem>>) dst(%dma_wait3A_472 : memref<8x50x128xf32, #tpu.memory_space<hbm>>)
      } else {
      }
      %mul3A_27 = arith.constant 8 : i32
      %mul3A_28 = arith.muli %add3A_24, %mul3A_27 : i32
      %add3A_29 = arith.constant 0 : i32
      %add3A_30 = arith.addi %mul3A_28, %add3A_29 : i32
      %dma_start3A = arith.constant 0 : i32
      %dma_start3A_31 = arith.constant 0 : i32
      %dma_start3A_32 = arith.constant 0 : i32
      %dma_start3A_33 = tpu.memref_slice %arg6[%dma_start3A, %dma_start3A_31, %dma_start3A_32] : memref<8x50x128xf32, #tpu.memory_space<vmem>> -> memref<1x50x128xf32, #tpu.memory_space<vmem>>
      %dma_start3A_34 = tpu.memref_squeeze %dma_start3A_33 : memref<1x50x128xf32, #tpu.memory_space<vmem>> -> memref<50x128xf32, #tpu.memory_space<vmem>>
      %dma_start3A_35 = arith.constant 0 : i32
      %dma_start3A_36 = tpu.memref_slice %arg5[%add3A_30, %dma_start3A_35] : memref<128x50xi32, #tpu.memory_space<vmem>> -> memref<1x50xi32, #tpu.memory_space<vmem>>
      %dma_start3A_37 = tpu.memref_squeeze %dma_start3A_36 : memref<1x50xi32, #tpu.memory_space<vmem>> -> memref<50xi32, #tpu.memory_space<vmem>>
      %dma_start3A_38 = arith.constant 0 : i32
      %dma_start3A_39 = arith.constant 0 : i32
      %dma_start3A_40 = tpu.memref_slice %arg2[%dma_start3A_38, %dma_start3A_39] : memref<100000x128xf32, #tpu.memory_space<hbm>> -> memref<100000x128xf32, #tpu.memory_space<hbm>>
      tpu.enqueue_indirect_dma source(%dma_start3A_40 : memref<100000x128xf32, #tpu.memory_space<hbm>>) target(%dma_start3A_34 : memref<50x128xf32, #tpu.memory_space<vmem>>) offsets(%dma_start3A_37 : memref<50xi32, #tpu.memory_space<vmem>>) semaphore(%arg8 : memref<!tpu.dma_semaphore, #tpu.memory_space<semaphore_mem>>)
      %mul3A_41 = arith.constant 8 : i32
      %mul3A_42 = arith.muli %add3A_24, %mul3A_41 : i32
      %add3A_43 = arith.constant 1 : i32
      %add3A_44 = arith.addi %mul3A_42, %add3A_43 : i32
      %dma_start3A_45 = arith.constant 1 : i32
      %dma_start3A_46 = arith.constant 0 : i32
      %dma_start3A_47 = arith.constant 0 : i32
      %dma_start3A_48 = tpu.memref_slice %arg6[%dma_start3A_45, %dma_start3A_46, %dma_start3A_47] : memref<8x50x128xf32, #tpu.memory_space<vmem>> -> memref<1x50x128xf32, #tpu.memory_space<vmem>>
      %dma_start3A_49 = tpu.memref_squeeze %dma_start3A_48 : memref<1x50x128xf32, #tpu.memory_space<vmem>> -> memref<50x128xf32, #tpu.memory_space<vmem>>
      %dma_start3A_50 = arith.constant 0 : i32
      %dma_start3A_51 = tpu.memref_slice %arg5[%add3A_44, %dma_start3A_50] : memref<128x50xi32, #tpu.memory_space<vmem>> -> memref<1x50xi32, #tpu.memory_space<vmem>>
      %dma_start3A_52 = tpu.memref_squeeze %dma_start3A_51 : memref<1x50xi32, #tpu.memory_space<vmem>> -> memref<50xi32, #tpu.memory_space<vmem>>
      %dma_start3A_53 = arith.constant 0 : i32
      %dma_start3A_54 = arith.constant 0 : i32
      %dma_start3A_55 = tpu.memref_slice %arg2[%dma_start3A_53, %dma_start3A_54] : memref<100000x128xf32, #tpu.memory_space<hbm>> -> memref<100000x128xf32, #tpu.memory_space<hbm>>
      tpu.enqueue_indirect_dma source(%dma_start3A_55 : memref<100000x128xf32, #tpu.memory_space<hbm>>) target(%dma_start3A_49 : memref<50x128xf32, #tpu.memory_space<vmem>>) offsets(%dma_start3A_52 : memref<50xi32, #tpu.memory_space<vmem>>) semaphore(%arg8 : memref<!tpu.dma_semaphore, #tpu.memory_space<semaphore_mem>>)
      %mul3A_56 = arith.constant 8 : i32
      %mul3A_57 = arith.muli %add3A_24, %mul3A_56 : i32
      %add3A_58 = arith.constant 2 : i32
      %add3A_59 = arith.addi %mul3A_57, %add3A_58 : i32
      %dma_start3A_60 = arith.constant 2 : i32
      %dma_start3A_61 = arith.constant 0 : i32
      %dma_start3A_62 = arith.constant 0 : i32
      %dma_start3A_63 = tpu.memref_slice %arg6[%dma_start3A_60, %dma_start3A_61, %dma_start3A_62] : memref<8x50x128xf32, #tpu.memory_space<vmem>> -> memref<1x50x128xf32, #tpu.memory_space<vmem>>
      %dma_start3A_64 = tpu.memref_squeeze %dma_start3A_63 : memref<1x50x128xf32, #tpu.memory_space<vmem>> -> memref<50x128xf32, #tpu.memory_space<vmem>>
      %dma_start3A_65 = arith.constant 0 : i32
      %dma_start3A_66 = tpu.memref_slice %arg5[%add3A_59, %dma_start3A_65] : memref<128x50xi32, #tpu.memory_space<vmem>> -> memref<1x50xi32, #tpu.memory_space<vmem>>
      %dma_start3A_67 = tpu.memref_squeeze %dma_start3A_66 : memref<1x50xi32, #tpu.memory_space<vmem>> -> memref<50xi32, #tpu.memory_space<vmem>>
      %dma_start3A_68 = arith.constant 0 : i32
      %dma_start3A_69 = arith.constant 0 : i32
      %dma_start3A_70 = tpu.memref_slice %arg2[%dma_start3A_68, %dma_start3A_69] : memref<100000x128xf32, #tpu.memory_space<hbm>> -> memref<100000x128xf32, #tpu.memory_space<hbm>>
      tpu.enqueue_indirect_dma source(%dma_start3A_70 : memref<100000x128xf32, #tpu.memory_space<hbm>>) target(%dma_start3A_64 : memref<50x128xf32, #tpu.memory_space<vmem>>) offsets(%dma_start3A_67 : memref<50xi32, #tpu.memory_space<vmem>>) semaphore(%arg8 : memref<!tpu.dma_semaphore, #tpu.memory_space<semaphore_mem>>)
      %mul3A_71 = arith.constant 8 : i32
      %mul3A_72 = arith.muli %add3A_24, %mul3A_71 : i32
      %add3A_73 = arith.constant 3 : i32
      %add3A_74 = arith.addi %mul3A_72, %add3A_73 : i32
      %dma_start3A_75 = arith.constant 3 : i32
      %dma_start3A_76 = arith.constant 0 : i32
      %dma_start3A_77 = arith.constant 0 : i32
      %dma_start3A_78 = tpu.memref_slice %arg6[%dma_start3A_75, %dma_start3A_76, %dma_start3A_77] : memref<8x50x128xf32, #tpu.memory_space<vmem>> -> memref<1x50x128xf32, #tpu.memory_space<vmem>>
      %dma_start3A_79 = tpu.memref_squeeze %dma_start3A_78 : memref<1x50x128xf32, #tpu.memory_space<vmem>> -> memref<50x128xf32, #tpu.memory_space<vmem>>
      %dma_start3A_80 = arith.constant 0 : i32
      %dma_start3A_81 = tpu.memref_slice %arg5[%add3A_74, %dma_start3A_80] : memref<128x50xi32, #tpu.memory_space<vmem>> -> memref<1x50xi32, #tpu.memory_space<vmem>>
      %dma_start3A_82 = tpu.memref_squeeze %dma_start3A_81 : memref<1x50xi32, #tpu.memory_space<vmem>> -> memref<50xi32, #tpu.memory_space<vmem>>
      %dma_start3A_83 = arith.constant 0 : i32
      %dma_start3A_84 = arith.constant 0 : i32
      %dma_start3A_85 = tpu.memref_slice %arg2[%dma_start3A_83, %dma_start3A_84] : memref<100000x128xf32, #tpu.memory_space<hbm>> -> memref<100000x128xf32, #tpu.memory_space<hbm>>
      tpu.enqueue_indirect_dma source(%dma_start3A_85 : memref<100000x128xf32, #tpu.memory_space<hbm>>) target(%dma_start3A_79 : memref<50x128xf32, #tpu.memory_space<vmem>>) offsets(%dma_start3A_82 : memref<50xi32, #tpu.memory_space<vmem>>) semaphore(%arg8 : memref<!tpu.dma_semaphore, #tpu.memory_space<semaphore_mem>>)
      %mul3A_86 = arith.constant 8 : i32
      %mul3A_87 = arith.muli %add3A_24, %mul3A_86 : i32
      %add3A_88 = arith.constant 4 : i32
      %add3A_89 = arith.addi %mul3A_87, %add3A_88 : i32
      %dma_start3A_90 = arith.constant 4 : i32
      %dma_start3A_91 = arith.constant 0 : i32
      %dma_start3A_92 = arith.constant 0 : i32
      %dma_start3A_93 = tpu.memref_slice %arg6[%dma_start3A_90, %dma_start3A_91, %dma_start3A_92] : memref<8x50x128xf32, #tpu.memory_space<vmem>> -> memref<1x50x128xf32, #tpu.memory_space<vmem>>
      %dma_start3A_94 = tpu.memref_squeeze %dma_start3A_93 : memref<1x50x128xf32, #tpu.memory_space<vmem>> -> memref<50x128xf32, #tpu.memory_space<vmem>>
      %dma_start3A_95 = arith.constant 0 : i32
      %dma_start3A_96 = tpu.memref_slice %arg5[%add3A_89, %dma_start3A_95] : memref<128x50xi32, #tpu.memory_space<vmem>> -> memref<1x50xi32, #tpu.memory_space<vmem>>
      %dma_start3A_97 = tpu.memref_squeeze %dma_start3A_96 : memref<1x50xi32, #tpu.memory_space<vmem>> -> memref<50xi32, #tpu.memory_space<vmem>>
      %dma_start3A_98 = arith.constant 0 : i32
      %dma_start3A_99 = arith.constant 0 : i32
      %dma_start3A_100 = tpu.memref_slice %arg2[%dma_start3A_98, %dma_start3A_99] : memref<100000x128xf32, #tpu.memory_space<hbm>> -> memref<100000x128xf32, #tpu.memory_space<hbm>>
      tpu.enqueue_indirect_dma source(%dma_start3A_100 : memref<100000x128xf32, #tpu.memory_space<hbm>>) target(%dma_start3A_94 : memref<50x128xf32, #tpu.memory_space<vmem>>) offsets(%dma_start3A_97 : memref<50xi32, #tpu.memory_space<vmem>>) semaphore(%arg8 : memref<!tpu.dma_semaphore, #tpu.memory_space<semaphore_mem>>)
      %mul3A_101 = arith.constant 8 : i32
      %mul3A_102 = arith.muli %add3A_24, %mul3A_101 : i32
      %add3A_103 = arith.constant 5 : i32
      %add3A_104 = arith.addi %mul3A_102, %add3A_103 : i32
      %dma_start3A_105 = arith.constant 5 : i32
      %dma_start3A_106 = arith.constant 0 : i32
      %dma_start3A_107 = arith.constant 0 : i32
      %dma_start3A_108 = tpu.memref_slice %arg6[%dma_start3A_105, %dma_start3A_106, %dma_start3A_107] : memref<8x50x128xf32, #tpu.memory_space<vmem>> -> memref<1x50x128xf32, #tpu.memory_space<vmem>>
      %dma_start3A_109 = tpu.memref_squeeze %dma_start3A_108 : memref<1x50x128xf32, #tpu.memory_space<vmem>> -> memref<50x128xf32, #tpu.memory_space<vmem>>
      %dma_start3A_110 = arith.constant 0 : i32
      %dma_start3A_111 = tpu.memref_slice %arg5[%add3A_104, %dma_start3A_110] : memref<128x50xi32, #tpu.memory_space<vmem>> -> memref<1x50xi32, #tpu.memory_space<vmem>>
      %dma_start3A_112 = tpu.memref_squeeze %dma_start3A_111 : memref<1x50xi32, #tpu.memory_space<vmem>> -> memref<50xi32, #tpu.memory_space<vmem>>
      %dma_start3A_113 = arith.constant 0 : i32
      %dma_start3A_114 = arith.constant 0 : i32
      %dma_start3A_115 = tpu.memref_slice %arg2[%dma_start3A_113, %dma_start3A_114] : memref<100000x128xf32, #tpu.memory_space<hbm>> -> memref<100000x128xf32, #tpu.memory_space<hbm>>
      tpu.enqueue_indirect_dma source(%dma_start3A_115 : memref<100000x128xf32, #tpu.memory_space<hbm>>) target(%dma_start3A_109 : memref<50x128xf32, #tpu.memory_space<vmem>>) offsets(%dma_start3A_112 : memref<50xi32, #tpu.memory_space<vmem>>) semaphore(%arg8 : memref<!tpu.dma_semaphore, #tpu.memory_space<semaphore_mem>>)
      %mul3A_116 = arith.constant 8 : i32
      %mul3A_117 = arith.muli %add3A_24, %mul3A_116 : i32
      %add3A_118 = arith.constant 6 : i32
      %add3A_119 = arith.addi %mul3A_117, %add3A_118 : i32
      %dma_start3A_120 = arith.constant 6 : i32
      %dma_start3A_121 = arith.constant 0 : i32
      %dma_start3A_122 = arith.constant 0 : i32
      %dma_start3A_123 = tpu.memref_slice %arg6[%dma_start3A_120, %dma_start3A_121, %dma_start3A_122] : memref<8x50x128xf32, #tpu.memory_space<vmem>> -> memref<1x50x128xf32, #tpu.memory_space<vmem>>
      %dma_start3A_124 = tpu.memref_squeeze %dma_start3A_123 : memref<1x50x128xf32, #tpu.memory_space<vmem>> -> memref<50x128xf32, #tpu.memory_space<vmem>>
      %dma_start3A_125 = arith.constant 0 : i32
      %dma_start3A_126 = tpu.memref_slice %arg5[%add3A_119, %dma_start3A_125] : memref<128x50xi32, #tpu.memory_space<vmem>> -> memref<1x50xi32, #tpu.memory_space<vmem>>
      %dma_start3A_127 = tpu.memref_squeeze %dma_start3A_126 : memref<1x50xi32, #tpu.memory_space<vmem>> -> memref<50xi32, #tpu.memory_space<vmem>>
      %dma_start3A_128 = arith.constant 0 : i32
      %dma_start3A_129 = arith.constant 0 : i32
      %dma_start3A_130 = tpu.memref_slice %arg2[%dma_start3A_128, %dma_start3A_129] : memref<100000x128xf32, #tpu.memory_space<hbm>> -> memref<100000x128xf32, #tpu.memory_space<hbm>>
      tpu.enqueue_indirect_dma source(%dma_start3A_130 : memref<100000x128xf32, #tpu.memory_space<hbm>>) target(%dma_start3A_124 : memref<50x128xf32, #tpu.memory_space<vmem>>) offsets(%dma_start3A_127 : memref<50xi32, #tpu.memory_space<vmem>>) semaphore(%arg8 : memref<!tpu.dma_semaphore, #tpu.memory_space<semaphore_mem>>)
      %mul3A_131 = arith.constant 8 : i32
      %mul3A_132 = arith.muli %add3A_24, %mul3A_131 : i32
      %add3A_133 = arith.constant 7 : i32
      %add3A_134 = arith.addi %mul3A_132, %add3A_133 : i32
      %dma_start3A_135 = arith.constant 7 : i32
      %dma_start3A_136 = arith.constant 0 : i32
      %dma_start3A_137 = arith.constant 0 : i32
      %dma_start3A_138 = tpu.memref_slice %arg6[%dma_start3A_135, %dma_start3A_136, %dma_start3A_137] : memref<8x50x128xf32, #tpu.memory_space<vmem>> -> memref<1x50x128xf32, #tpu.memory_space<vmem>>
      %dma_start3A_139 = tpu.memref_squeeze %dma_start3A_138 : memref<1x50x128xf32, #tpu.memory_space<vmem>> -> memref<50x128xf32, #tpu.memory_space<vmem>>
      %dma_start3A_140 = arith.constant 0 : i32
      %dma_start3A_141 = tpu.memref_slice %arg5[%add3A_134, %dma_start3A_140] : memref<128x50xi32, #tpu.memory_space<vmem>> -> memref<1x50xi32, #tpu.memory_space<vmem>>
      %dma_start3A_142 = tpu.memref_squeeze %dma_start3A_141 : memref<1x50xi32, #tpu.memory_space<vmem>> -> memref<50xi32, #tpu.memory_space<vmem>>
      %dma_start3A_143 = arith.constant 0 : i32
      %dma_start3A_144 = arith.constant 0 : i32
      %dma_start3A_145 = tpu.memref_slice %arg2[%dma_start3A_143, %dma_start3A_144] : memref<100000x128xf32, #tpu.memory_space<hbm>> -> memref<100000x128xf32, #tpu.memory_space<hbm>>
      tpu.enqueue_indirect_dma source(%dma_start3A_145 : memref<100000x128xf32, #tpu.memory_space<hbm>>) target(%dma_start3A_139 : memref<50x128xf32, #tpu.memory_space<vmem>>) offsets(%dma_start3A_142 : memref<50xi32, #tpu.memory_space<vmem>>) semaphore(%arg8 : memref<!tpu.dma_semaphore, #tpu.memory_space<semaphore_mem>>)
      %dma_wait3A_146 = arith.constant 0 : i32
      %dma_wait3A_147 = arith.constant 0 : i32
      %dma_wait3A_148 = arith.constant 0 : i32
      %dma_wait3A_149 = tpu.memref_slice %arg6[%dma_wait3A_146, %dma_wait3A_147, %dma_wait3A_148] : memref<8x50x128xf32, #tpu.memory_space<vmem>> -> memref<1x50x128xf32, #tpu.memory_space<vmem>>
      %dma_wait3A_150 = tpu.memref_squeeze %dma_wait3A_149 : memref<1x50x128xf32, #tpu.memory_space<vmem>> -> memref<50x128xf32, #tpu.memory_space<vmem>>
      %dma_wait3A_151 = arith.constant 0 : i32
      %dma_wait3A_152 = tpu.memref_slice %arg5[%add3A_30, %dma_wait3A_151] : memref<128x50xi32, #tpu.memory_space<vmem>> -> memref<1x50xi32, #tpu.memory_space<vmem>>
      %dma_wait3A_153 = tpu.memref_squeeze %dma_wait3A_152 : memref<1x50xi32, #tpu.memory_space<vmem>> -> memref<50xi32, #tpu.memory_space<vmem>>
      %dma_wait3A_154 = arith.constant 0 : i32
      %dma_wait3A_155 = arith.constant 0 : i32
      %dma_wait3A_156 = tpu.memref_slice %arg2[%dma_wait3A_154, %dma_wait3A_155] : memref<100000x128xf32, #tpu.memory_space<hbm>> -> memref<100000x128xf32, #tpu.memory_space<hbm>>
      tpu.wait_indirect_dma semaphore(%arg8 : memref<!tpu.dma_semaphore, #tpu.memory_space<semaphore_mem>>) src(%dma_wait3A_156 : memref<100000x128xf32, #tpu.memory_space<hbm>>) dst(%dma_wait3A_150 : memref<50x128xf32, #tpu.memory_space<vmem>>)
      %dma_wait3A_157 = arith.constant 1 : i32
      %dma_wait3A_158 = arith.constant 0 : i32
      %dma_wait3A_159 = arith.constant 0 : i32
      %dma_wait3A_160 = tpu.memref_slice %arg6[%dma_wait3A_157, %dma_wait3A_158, %dma_wait3A_159] : memref<8x50x128xf32, #tpu.memory_space<vmem>> -> memref<1x50x128xf32, #tpu.memory_space<vmem>>
      %dma_wait3A_161 = tpu.memref_squeeze %dma_wait3A_160 : memref<1x50x128xf32, #tpu.memory_space<vmem>> -> memref<50x128xf32, #tpu.memory_space<vmem>>
      %dma_wait3A_162 = arith.constant 0 : i32
      %dma_wait3A_163 = tpu.memref_slice %arg5[%add3A_44, %dma_wait3A_162] : memref<128x50xi32, #tpu.memory_space<vmem>> -> memref<1x50xi32, #tpu.memory_space<vmem>>
      %dma_wait3A_164 = tpu.memref_squeeze %dma_wait3A_163 : memref<1x50xi32, #tpu.memory_space<vmem>> -> memref<50xi32, #tpu.memory_space<vmem>>
      %dma_wait3A_165 = arith.constant 0 : i32
      %dma_wait3A_166 = arith.constant 0 : i32
      %dma_wait3A_167 = tpu.memref_slice %arg2[%dma_wait3A_165, %dma_wait3A_166] : memref<100000x128xf32, #tpu.memory_space<hbm>> -> memref<100000x128xf32, #tpu.memory_space<hbm>>
      tpu.wait_indirect_dma semaphore(%arg8 : memref<!tpu.dma_semaphore, #tpu.memory_space<semaphore_mem>>) src(%dma_wait3A_167 : memref<100000x128xf32, #tpu.memory_space<hbm>>) dst(%dma_wait3A_161 : memref<50x128xf32, #tpu.memory_space<vmem>>)
      %dma_wait3A_168 = arith.constant 2 : i32
      %dma_wait3A_169 = arith.constant 0 : i32
      %dma_wait3A_170 = arith.constant 0 : i32
      %dma_wait3A_171 = tpu.memref_slice %arg6[%dma_wait3A_168, %dma_wait3A_169, %dma_wait3A_170] : memref<8x50x128xf32, #tpu.memory_space<vmem>> -> memref<1x50x128xf32, #tpu.memory_space<vmem>>
      %dma_wait3A_172 = tpu.memref_squeeze %dma_wait3A_171 : memref<1x50x128xf32, #tpu.memory_space<vmem>> -> memref<50x128xf32, #tpu.memory_space<vmem>>
      %dma_wait3A_173 = arith.constant 0 : i32
      %dma_wait3A_174 = tpu.memref_slice %arg5[%add3A_59, %dma_wait3A_173] : memref<128x50xi32, #tpu.memory_space<vmem>> -> memref<1x50xi32, #tpu.memory_space<vmem>>
      %dma_wait3A_175 = tpu.memref_squeeze %dma_wait3A_174 : memref<1x50xi32, #tpu.memory_space<vmem>> -> memref<50xi32, #tpu.memory_space<vmem>>
      %dma_wait3A_176 = arith.constant 0 : i32
      %dma_wait3A_177 = arith.constant 0 : i32
      %dma_wait3A_178 = tpu.memref_slice %arg2[%dma_wait3A_176, %dma_wait3A_177] : memref<100000x128xf32, #tpu.memory_space<hbm>> -> memref<100000x128xf32, #tpu.memory_space<hbm>>
      tpu.wait_indirect_dma semaphore(%arg8 : memref<!tpu.dma_semaphore, #tpu.memory_space<semaphore_mem>>) src(%dma_wait3A_178 : memref<100000x128xf32, #tpu.memory_space<hbm>>) dst(%dma_wait3A_172 : memref<50x128xf32, #tpu.memory_space<vmem>>)
      %dma_wait3A_179 = arith.constant 3 : i32
      %dma_wait3A_180 = arith.constant 0 : i32
      %dma_wait3A_181 = arith.constant 0 : i32
      %dma_wait3A_182 = tpu.memref_slice %arg6[%dma_wait3A_179, %dma_wait3A_180, %dma_wait3A_181] : memref<8x50x128xf32, #tpu.memory_space<vmem>> -> memref<1x50x128xf32, #tpu.memory_space<vmem>>
      %dma_wait3A_183 = tpu.memref_squeeze %dma_wait3A_182 : memref<1x50x128xf32, #tpu.memory_space<vmem>> -> memref<50x128xf32, #tpu.memory_space<vmem>>
      %dma_wait3A_184 = arith.constant 0 : i32
      %dma_wait3A_185 = tpu.memref_slice %arg5[%add3A_74, %dma_wait3A_184] : memref<128x50xi32, #tpu.memory_space<vmem>> -> memref<1x50xi32, #tpu.memory_space<vmem>>
      %dma_wait3A_186 = tpu.memref_squeeze %dma_wait3A_185 : memref<1x50xi32, #tpu.memory_space<vmem>> -> memref<50xi32, #tpu.memory_space<vmem>>
      %dma_wait3A_187 = arith.constant 0 : i32
      %dma_wait3A_188 = arith.constant 0 : i32
      %dma_wait3A_189 = tpu.memref_slice %arg2[%dma_wait3A_187, %dma_wait3A_188] : memref<100000x128xf32, #tpu.memory_space<hbm>> -> memref<100000x128xf32, #tpu.memory_space<hbm>>
      tpu.wait_indirect_dma semaphore(%arg8 : memref<!tpu.dma_semaphore, #tpu.memory_space<semaphore_mem>>) src(%dma_wait3A_189 : memref<100000x128xf32, #tpu.memory_space<hbm>>) dst(%dma_wait3A_183 : memref<50x128xf32, #tpu.memory_space<vmem>>)
      %dma_wait3A_190 = arith.constant 4 : i32
      %dma_wait3A_191 = arith.constant 0 : i32
      %dma_wait3A_192 = arith.constant 0 : i32
      %dma_wait3A_193 = tpu.memref_slice %arg6[%dma_wait3A_190, %dma_wait3A_191, %dma_wait3A_192] : memref<8x50x128xf32, #tpu.memory_space<vmem>> -> memref<1x50x128xf32, #tpu.memory_space<vmem>>
      %dma_wait3A_194 = tpu.memref_squeeze %dma_wait3A_193 : memref<1x50x128xf32, #tpu.memory_space<vmem>> -> memref<50x128xf32, #tpu.memory_space<vmem>>
      %dma_wait3A_195 = arith.constant 0 : i32
      %dma_wait3A_196 = tpu.memref_slice %arg5[%add3A_89, %dma_wait3A_195] : memref<128x50xi32, #tpu.memory_space<vmem>> -> memref<1x50xi32, #tpu.memory_space<vmem>>
      %dma_wait3A_197 = tpu.memref_squeeze %dma_wait3A_196 : memref<1x50xi32, #tpu.memory_space<vmem>> -> memref<50xi32, #tpu.memory_space<vmem>>
      %dma_wait3A_198 = arith.constant 0 : i32
      %dma_wait3A_199 = arith.constant 0 : i32
      %dma_wait3A_200 = tpu.memref_slice %arg2[%dma_wait3A_198, %dma_wait3A_199] : memref<100000x128xf32, #tpu.memory_space<hbm>> -> memref<100000x128xf32, #tpu.memory_space<hbm>>
      tpu.wait_indirect_dma semaphore(%arg8 : memref<!tpu.dma_semaphore, #tpu.memory_space<semaphore_mem>>) src(%dma_wait3A_200 : memref<100000x128xf32, #tpu.memory_space<hbm>>) dst(%dma_wait3A_194 : memref<50x128xf32, #tpu.memory_space<vmem>>)
      %dma_wait3A_201 = arith.constant 5 : i32
      %dma_wait3A_202 = arith.constant 0 : i32
      %dma_wait3A_203 = arith.constant 0 : i32
      %dma_wait3A_204 = tpu.memref_slice %arg6[%dma_wait3A_201, %dma_wait3A_202, %dma_wait3A_203] : memref<8x50x128xf32, #tpu.memory_space<vmem>> -> memref<1x50x128xf32, #tpu.memory_space<vmem>>
      %dma_wait3A_205 = tpu.memref_squeeze %dma_wait3A_204 : memref<1x50x128xf32, #tpu.memory_space<vmem>> -> memref<50x128xf32, #tpu.memory_space<vmem>>
      %dma_wait3A_206 = arith.constant 0 : i32
      %dma_wait3A_207 = tpu.memref_slice %arg5[%add3A_104, %dma_wait3A_206] : memref<128x50xi32, #tpu.memory_space<vmem>> -> memref<1x50xi32, #tpu.memory_space<vmem>>
      %dma_wait3A_208 = tpu.memref_squeeze %dma_wait3A_207 : memref<1x50xi32, #tpu.memory_space<vmem>> -> memref<50xi32, #tpu.memory_space<vmem>>
      %dma_wait3A_209 = arith.constant 0 : i32
      %dma_wait3A_210 = arith.constant 0 : i32
      %dma_wait3A_211 = tpu.memref_slice %arg2[%dma_wait3A_209, %dma_wait3A_210] : memref<100000x128xf32, #tpu.memory_space<hbm>> -> memref<100000x128xf32, #tpu.memory_space<hbm>>
      tpu.wait_indirect_dma semaphore(%arg8 : memref<!tpu.dma_semaphore, #tpu.memory_space<semaphore_mem>>) src(%dma_wait3A_211 : memref<100000x128xf32, #tpu.memory_space<hbm>>) dst(%dma_wait3A_205 : memref<50x128xf32, #tpu.memory_space<vmem>>)
      %dma_wait3A_212 = arith.constant 6 : i32
      %dma_wait3A_213 = arith.constant 0 : i32
      %dma_wait3A_214 = arith.constant 0 : i32
      %dma_wait3A_215 = tpu.memref_slice %arg6[%dma_wait3A_212, %dma_wait3A_213, %dma_wait3A_214] : memref<8x50x128xf32, #tpu.memory_space<vmem>> -> memref<1x50x128xf32, #tpu.memory_space<vmem>>
      %dma_wait3A_216 = tpu.memref_squeeze %dma_wait3A_215 : memref<1x50x128xf32, #tpu.memory_space<vmem>> -> memref<50x128xf32, #tpu.memory_space<vmem>>
      %dma_wait3A_217 = arith.constant 0 : i32
      %dma_wait3A_218 = tpu.memref_slice %arg5[%add3A_119, %dma_wait3A_217] : memref<128x50xi32, #tpu.memory_space<vmem>> -> memref<1x50xi32, #tpu.memory_space<vmem>>
      %dma_wait3A_219 = tpu.memref_squeeze %dma_wait3A_218 : memref<1x50xi32, #tpu.memory_space<vmem>> -> memref<50xi32, #tpu.memory_space<vmem>>
      %dma_wait3A_220 = arith.constant 0 : i32
      %dma_wait3A_221 = arith.constant 0 : i32
      %dma_wait3A_222 = tpu.memref_slice %arg2[%dma_wait3A_220, %dma_wait3A_221] : memref<100000x128xf32, #tpu.memory_space<hbm>> -> memref<100000x128xf32, #tpu.memory_space<hbm>>
      tpu.wait_indirect_dma semaphore(%arg8 : memref<!tpu.dma_semaphore, #tpu.memory_space<semaphore_mem>>) src(%dma_wait3A_222 : memref<100000x128xf32, #tpu.memory_space<hbm>>) dst(%dma_wait3A_216 : memref<50x128xf32, #tpu.memory_space<vmem>>)
      %dma_wait3A_223 = arith.constant 7 : i32
      %dma_wait3A_224 = arith.constant 0 : i32
      %dma_wait3A_225 = arith.constant 0 : i32
      %dma_wait3A_226 = tpu.memref_slice %arg6[%dma_wait3A_223, %dma_wait3A_224, %dma_wait3A_225] : memref<8x50x128xf32, #tpu.memory_space<vmem>> -> memref<1x50x128xf32, #tpu.memory_space<vmem>>
      %dma_wait3A_227 = tpu.memref_squeeze %dma_wait3A_226 : memref<1x50x128xf32, #tpu.memory_space<vmem>> -> memref<50x128xf32, #tpu.memory_space<vmem>>
      %dma_wait3A_228 = arith.constant 0 : i32
      %dma_wait3A_229 = tpu.memref_slice %arg5[%add3A_134, %dma_wait3A_228] : memref<128x50xi32, #tpu.memory_space<vmem>> -> memref<1x50xi32, #tpu.memory_space<vmem>>
      %dma_wait3A_230 = tpu.memref_squeeze %dma_wait3A_229 : memref<1x50xi32, #tpu.memory_space<vmem>> -> memref<50xi32, #tpu.memory_space<vmem>>
      %dma_wait3A_231 = arith.constant 0 : i32
      %dma_wait3A_232 = arith.constant 0 : i32
      %dma_wait3A_233 = tpu.memref_slice %arg2[%dma_wait3A_231, %dma_wait3A_232] : memref<100000x128xf32, #tpu.memory_space<hbm>> -> memref<100000x128xf32, #tpu.memory_space<hbm>>
      tpu.wait_indirect_dma semaphore(%arg8 : memref<!tpu.dma_semaphore, #tpu.memory_space<semaphore_mem>>) src(%dma_wait3A_233 : memref<100000x128xf32, #tpu.memory_space<hbm>>) dst(%dma_wait3A_227 : memref<50x128xf32, #tpu.memory_space<vmem>>)
      %mul3A_234 = arith.constant 8 : i32
      %mul3A_235 = arith.muli %add3A_24, %mul3A_234 : i32
      %add3A_236 = arith.addi %mul3A_2, %mul3A_235 : i32
      %dma_start3A_237 = arith.constant 0 : i32
      %dma_start3A_238 = arith.constant 0 : i32
      %dma_start3A_239 = tpu.memref_slice %arg4[%add3A_236, %dma_start3A_237, %dma_start3A_238] : memref<4096x50x128xf32, #tpu.memory_space<hbm>> -> memref<8x50x128xf32, #tpu.memory_space<hbm>>
      %dma_start3A_240 = arith.constant 0 : i32
      %dma_start3A_241 = arith.constant 0 : i32
      %dma_start3A_242 = tpu.memref_slice %arg4[%add3A_236, %dma_start3A_240, %dma_start3A_241] : memref<4096x50x128xf32, #tpu.memory_space<hbm>> -> memref<8x50x128xf32, #tpu.memory_space<hbm>>
      tpu.enqueue_dma source(%arg6 : memref<8x50x128xf32, #tpu.memory_space<vmem>>) target(%dma_start3A_242 : memref<8x50x128xf32, #tpu.memory_space<hbm>>) target_semaphore(%arg10 : memref<!tpu.dma_semaphore, #tpu.memory_space<semaphore_mem>>)
      %add3A_243 = arith.constant 1 : i32
      %add3A_244 = arith.addi %add3A_22, %add3A_243 : i32
      %ge3A_245 = arith.constant 2 : i32
      %ge3A_246 = arith.cmpi sge, %add3A_244, %ge3A_245 : i32
      %convert_element_type3A_247 = arith.extui %ge3A_246 : i1 to i32
      %cond3A_248 = arith.constant 0 : i32
      %cond3A_249 = arith.cmpi ne, %convert_element_type3A_247, %cond3A_248 : i32
      scf.if %cond3A_249 {
        %dma_wait3A_467 = arith.constant 0 : i32
        %dma_wait3A_468 = arith.constant 0 : i32
        %dma_wait3A_469 = tpu.memref_slice %arg4[%mul3A_2, %dma_wait3A_467, %dma_wait3A_468] : memref<4096x50x128xf32, #tpu.memory_space<hbm>> -> memref<8x50x128xf32, #tpu.memory_space<hbm>>
        %dma_wait3A_470 = arith.constant 0 : i32
        %dma_wait3A_471 = arith.constant 0 : i32
        %dma_wait3A_472 = tpu.memref_slice %arg4[%mul3A_2, %dma_wait3A_470, %dma_wait3A_471] : memref<4096x50x128xf32, #tpu.memory_space<hbm>> -> memref<8x50x128xf32, #tpu.memory_space<hbm>>
        tpu.wait_dma2 semaphore(%arg11 : memref<!tpu.dma_semaphore, #tpu.memory_space<semaphore_mem>>) src(%arg7 : memref<8x50x128xf32, #tpu.memory_space<vmem>>) dst(%dma_wait3A_472 : memref<8x50x128xf32, #tpu.memory_space<hbm>>)
      } else {
      }
      %mul3A_250 = arith.constant 8 : i32
      %mul3A_251 = arith.muli %add3A_244, %mul3A_250 : i32
      %add3A_252 = arith.constant 0 : i32
      %add3A_253 = arith.addi %mul3A_251, %add3A_252 : i32
      %dma_start3A_254 = arith.constant 0 : i32
      %dma_start3A_255 = arith.constant 0 : i32
      %dma_start3A_256 = arith.constant 0 : i32
      %dma_start3A_257 = tpu.memref_slice %arg7[%dma_start3A_254, %dma_start3A_255, %dma_start3A_256] : memref<8x50x128xf32, #tpu.memory_space<vmem>> -> memref<1x50x128xf32, #tpu.memory_space<vmem>>
      %dma_start3A_258 = tpu.memref_squeeze %dma_start3A_257 : memref<1x50x128xf32, #tpu.memory_space<vmem>> -> memref<50x128xf32, #tpu.memory_space<vmem>>
      %dma_start3A_259 = arith.constant 0 : i32
      %dma_start3A_260 = tpu.memref_slice %arg5[%add3A_253, %dma_start3A_259] : memref<128x50xi32, #tpu.memory_space<vmem>> -> memref<1x50xi32, #tpu.memory_space<vmem>>
      %dma_start3A_261 = tpu.memref_squeeze %dma_start3A_260 : memref<1x50xi32, #tpu.memory_space<vmem>> -> memref<50xi32, #tpu.memory_space<vmem>>
      %dma_start3A_262 = arith.constant 0 : i32
      %dma_start3A_263 = arith.constant 0 : i32
      %dma_start3A_264 = tpu.memref_slice %arg2[%dma_start3A_262, %dma_start3A_263] : memref<100000x128xf32, #tpu.memory_space<hbm>> -> memref<100000x128xf32, #tpu.memory_space<hbm>>
      tpu.enqueue_indirect_dma source(%dma_start3A_264 : memref<100000x128xf32, #tpu.memory_space<hbm>>) target(%dma_start3A_258 : memref<50x128xf32, #tpu.memory_space<vmem>>) offsets(%dma_start3A_261 : memref<50xi32, #tpu.memory_space<vmem>>) semaphore(%arg9 : memref<!tpu.dma_semaphore, #tpu.memory_space<semaphore_mem>>)
      %mul3A_265 = arith.constant 8 : i32
      %mul3A_266 = arith.muli %add3A_244, %mul3A_265 : i32
      %add3A_267 = arith.constant 1 : i32
      %add3A_268 = arith.addi %mul3A_266, %add3A_267 : i32
      %dma_start3A_269 = arith.constant 1 : i32
      %dma_start3A_270 = arith.constant 0 : i32
      %dma_start3A_271 = arith.constant 0 : i32
      %dma_start3A_272 = tpu.memref_slice %arg7[%dma_start3A_269, %dma_start3A_270, %dma_start3A_271] : memref<8x50x128xf32, #tpu.memory_space<vmem>> -> memref<1x50x128xf32, #tpu.memory_space<vmem>>
      %dma_start3A_273 = tpu.memref_squeeze %dma_start3A_272 : memref<1x50x128xf32, #tpu.memory_space<vmem>> -> memref<50x128xf32, #tpu.memory_space<vmem>>
      %dma_start3A_274 = arith.constant 0 : i32
      %dma_start3A_275 = tpu.memref_slice %arg5[%add3A_268, %dma_start3A_274] : memref<128x50xi32, #tpu.memory_space<vmem>> -> memref<1x50xi32, #tpu.memory_space<vmem>>
      %dma_start3A_276 = tpu.memref_squeeze %dma_start3A_275 : memref<1x50xi32, #tpu.memory_space<vmem>> -> memref<50xi32, #tpu.memory_space<vmem>>
      %dma_start3A_277 = arith.constant 0 : i32
      %dma_start3A_278 = arith.constant 0 : i32
      %dma_start3A_279 = tpu.memref_slice %arg2[%dma_start3A_277, %dma_start3A_278] : memref<100000x128xf32, #tpu.memory_space<hbm>> -> memref<100000x128xf32, #tpu.memory_space<hbm>>
      tpu.enqueue_indirect_dma source(%dma_start3A_279 : memref<100000x128xf32, #tpu.memory_space<hbm>>) target(%dma_start3A_273 : memref<50x128xf32, #tpu.memory_space<vmem>>) offsets(%dma_start3A_276 : memref<50xi32, #tpu.memory_space<vmem>>) semaphore(%arg9 : memref<!tpu.dma_semaphore, #tpu.memory_space<semaphore_mem>>)
      %mul3A_280 = arith.constant 8 : i32
      %mul3A_281 = arith.muli %add3A_244, %mul3A_280 : i32
      %add3A_282 = arith.constant 2 : i32
      %add3A_283 = arith.addi %mul3A_281, %add3A_282 : i32
      %dma_start3A_284 = arith.constant 2 : i32
      %dma_start3A_285 = arith.constant 0 : i32
      %dma_start3A_286 = arith.constant 0 : i32
      %dma_start3A_287 = tpu.memref_slice %arg7[%dma_start3A_284, %dma_start3A_285, %dma_start3A_286] : memref<8x50x128xf32, #tpu.memory_space<vmem>> -> memref<1x50x128xf32, #tpu.memory_space<vmem>>
      %dma_start3A_288 = tpu.memref_squeeze %dma_start3A_287 : memref<1x50x128xf32, #tpu.memory_space<vmem>> -> memref<50x128xf32, #tpu.memory_space<vmem>>
      %dma_start3A_289 = arith.constant 0 : i32
      %dma_start3A_290 = tpu.memref_slice %arg5[%add3A_283, %dma_start3A_289] : memref<128x50xi32, #tpu.memory_space<vmem>> -> memref<1x50xi32, #tpu.memory_space<vmem>>
      %dma_start3A_291 = tpu.memref_squeeze %dma_start3A_290 : memref<1x50xi32, #tpu.memory_space<vmem>> -> memref<50xi32, #tpu.memory_space<vmem>>
      %dma_start3A_292 = arith.constant 0 : i32
      %dma_start3A_293 = arith.constant 0 : i32
      %dma_start3A_294 = tpu.memref_slice %arg2[%dma_start3A_292, %dma_start3A_293] : memref<100000x128xf32, #tpu.memory_space<hbm>> -> memref<100000x128xf32, #tpu.memory_space<hbm>>
      tpu.enqueue_indirect_dma source(%dma_start3A_294 : memref<100000x128xf32, #tpu.memory_space<hbm>>) target(%dma_start3A_288 : memref<50x128xf32, #tpu.memory_space<vmem>>) offsets(%dma_start3A_291 : memref<50xi32, #tpu.memory_space<vmem>>) semaphore(%arg9 : memref<!tpu.dma_semaphore, #tpu.memory_space<semaphore_mem>>)
      %mul3A_295 = arith.constant 8 : i32
      %mul3A_296 = arith.muli %add3A_244, %mul3A_295 : i32
      %add3A_297 = arith.constant 3 : i32
      %add3A_298 = arith.addi %mul3A_296, %add3A_297 : i32
      %dma_start3A_299 = arith.constant 3 : i32
      %dma_start3A_300 = arith.constant 0 : i32
      %dma_start3A_301 = arith.constant 0 : i32
      %dma_start3A_302 = tpu.memref_slice %arg7[%dma_start3A_299, %dma_start3A_300, %dma_start3A_301] : memref<8x50x128xf32, #tpu.memory_space<vmem>> -> memref<1x50x128xf32, #tpu.memory_space<vmem>>
      %dma_start3A_303 = tpu.memref_squeeze %dma_start3A_302 : memref<1x50x128xf32, #tpu.memory_space<vmem>> -> memref<50x128xf32, #tpu.memory_space<vmem>>
      %dma_start3A_304 = arith.constant 0 : i32
      %dma_start3A_305 = tpu.memref_slice %arg5[%add3A_298, %dma_start3A_304] : memref<128x50xi32, #tpu.memory_space<vmem>> -> memref<1x50xi32, #tpu.memory_space<vmem>>
      %dma_start3A_306 = tpu.memref_squeeze %dma_start3A_305 : memref<1x50xi32, #tpu.memory_space<vmem>> -> memref<50xi32, #tpu.memory_space<vmem>>
      %dma_start3A_307 = arith.constant 0 : i32
      %dma_start3A_308 = arith.constant 0 : i32
      %dma_start3A_309 = tpu.memref_slice %arg2[%dma_start3A_307, %dma_start3A_308] : memref<100000x128xf32, #tpu.memory_space<hbm>> -> memref<100000x128xf32, #tpu.memory_space<hbm>>
      tpu.enqueue_indirect_dma source(%dma_start3A_309 : memref<100000x128xf32, #tpu.memory_space<hbm>>) target(%dma_start3A_303 : memref<50x128xf32, #tpu.memory_space<vmem>>) offsets(%dma_start3A_306 : memref<50xi32, #tpu.memory_space<vmem>>) semaphore(%arg9 : memref<!tpu.dma_semaphore, #tpu.memory_space<semaphore_mem>>)
      %mul3A_310 = arith.constant 8 : i32
      %mul3A_311 = arith.muli %add3A_244, %mul3A_310 : i32
      %add3A_312 = arith.constant 4 : i32
      %add3A_313 = arith.addi %mul3A_311, %add3A_312 : i32
      %dma_start3A_314 = arith.constant 4 : i32
      %dma_start3A_315 = arith.constant 0 : i32
      %dma_start3A_316 = arith.constant 0 : i32
      %dma_start3A_317 = tpu.memref_slice %arg7[%dma_start3A_314, %dma_start3A_315, %dma_start3A_316] : memref<8x50x128xf32, #tpu.memory_space<vmem>> -> memref<1x50x128xf32, #tpu.memory_space<vmem>>
      %dma_start3A_318 = tpu.memref_squeeze %dma_start3A_317 : memref<1x50x128xf32, #tpu.memory_space<vmem>> -> memref<50x128xf32, #tpu.memory_space<vmem>>
      %dma_start3A_319 = arith.constant 0 : i32
      %dma_start3A_320 = tpu.memref_slice %arg5[%add3A_313, %dma_start3A_319] : memref<128x50xi32, #tpu.memory_space<vmem>> -> memref<1x50xi32, #tpu.memory_space<vmem>>
      %dma_start3A_321 = tpu.memref_squeeze %dma_start3A_320 : memref<1x50xi32, #tpu.memory_space<vmem>> -> memref<50xi32, #tpu.memory_space<vmem>>
      %dma_start3A_322 = arith.constant 0 : i32
      %dma_start3A_323 = arith.constant 0 : i32
      %dma_start3A_324 = tpu.memref_slice %arg2[%dma_start3A_322, %dma_start3A_323] : memref<100000x128xf32, #tpu.memory_space<hbm>> -> memref<100000x128xf32, #tpu.memory_space<hbm>>
      tpu.enqueue_indirect_dma source(%dma_start3A_324 : memref<100000x128xf32, #tpu.memory_space<hbm>>) target(%dma_start3A_318 : memref<50x128xf32, #tpu.memory_space<vmem>>) offsets(%dma_start3A_321 : memref<50xi32, #tpu.memory_space<vmem>>) semaphore(%arg9 : memref<!tpu.dma_semaphore, #tpu.memory_space<semaphore_mem>>)
      %mul3A_325 = arith.constant 8 : i32
      %mul3A_326 = arith.muli %add3A_244, %mul3A_325 : i32
      %add3A_327 = arith.constant 5 : i32
      %add3A_328 = arith.addi %mul3A_326, %add3A_327 : i32
      %dma_start3A_329 = arith.constant 5 : i32
      %dma_start3A_330 = arith.constant 0 : i32
      %dma_start3A_331 = arith.constant 0 : i32
      %dma_start3A_332 = tpu.memref_slice %arg7[%dma_start3A_329, %dma_start3A_330, %dma_start3A_331] : memref<8x50x128xf32, #tpu.memory_space<vmem>> -> memref<1x50x128xf32, #tpu.memory_space<vmem>>
      %dma_start3A_333 = tpu.memref_squeeze %dma_start3A_332 : memref<1x50x128xf32, #tpu.memory_space<vmem>> -> memref<50x128xf32, #tpu.memory_space<vmem>>
      %dma_start3A_334 = arith.constant 0 : i32
      %dma_start3A_335 = tpu.memref_slice %arg5[%add3A_328, %dma_start3A_334] : memref<128x50xi32, #tpu.memory_space<vmem>> -> memref<1x50xi32, #tpu.memory_space<vmem>>
      %dma_start3A_336 = tpu.memref_squeeze %dma_start3A_335 : memref<1x50xi32, #tpu.memory_space<vmem>> -> memref<50xi32, #tpu.memory_space<vmem>>
      %dma_start3A_337 = arith.constant 0 : i32
      %dma_start3A_338 = arith.constant 0 : i32
      %dma_start3A_339 = tpu.memref_slice %arg2[%dma_start3A_337, %dma_start3A_338] : memref<100000x128xf32, #tpu.memory_space<hbm>> -> memref<100000x128xf32, #tpu.memory_space<hbm>>
      tpu.enqueue_indirect_dma source(%dma_start3A_339 : memref<100000x128xf32, #tpu.memory_space<hbm>>) target(%dma_start3A_333 : memref<50x128xf32, #tpu.memory_space<vmem>>) offsets(%dma_start3A_336 : memref<50xi32, #tpu.memory_space<vmem>>) semaphore(%arg9 : memref<!tpu.dma_semaphore, #tpu.memory_space<semaphore_mem>>)
      %mul3A_340 = arith.constant 8 : i32
      %mul3A_341 = arith.muli %add3A_244, %mul3A_340 : i32
      %add3A_342 = arith.constant 6 : i32
      %add3A_343 = arith.addi %mul3A_341, %add3A_342 : i32
      %dma_start3A_344 = arith.constant 6 : i32
      %dma_start3A_345 = arith.constant 0 : i32
      %dma_start3A_346 = arith.constant 0 : i32
      %dma_start3A_347 = tpu.memref_slice %arg7[%dma_start3A_344, %dma_start3A_345, %dma_start3A_346] : memref<8x50x128xf32, #tpu.memory_space<vmem>> -> memref<1x50x128xf32, #tpu.memory_space<vmem>>
      %dma_start3A_348 = tpu.memref_squeeze %dma_start3A_347 : memref<1x50x128xf32, #tpu.memory_space<vmem>> -> memref<50x128xf32, #tpu.memory_space<vmem>>
      %dma_start3A_349 = arith.constant 0 : i32
      %dma_start3A_350 = tpu.memref_slice %arg5[%add3A_343, %dma_start3A_349] : memref<128x50xi32, #tpu.memory_space<vmem>> -> memref<1x50xi32, #tpu.memory_space<vmem>>
      %dma_start3A_351 = tpu.memref_squeeze %dma_start3A_350 : memref<1x50xi32, #tpu.memory_space<vmem>> -> memref<50xi32, #tpu.memory_space<vmem>>
      %dma_start3A_352 = arith.constant 0 : i32
      %dma_start3A_353 = arith.constant 0 : i32
      %dma_start3A_354 = tpu.memref_slice %arg2[%dma_start3A_352, %dma_start3A_353] : memref<100000x128xf32, #tpu.memory_space<hbm>> -> memref<100000x128xf32, #tpu.memory_space<hbm>>
      tpu.enqueue_indirect_dma source(%dma_start3A_354 : memref<100000x128xf32, #tpu.memory_space<hbm>>) target(%dma_start3A_348 : memref<50x128xf32, #tpu.memory_space<vmem>>) offsets(%dma_start3A_351 : memref<50xi32, #tpu.memory_space<vmem>>) semaphore(%arg9 : memref<!tpu.dma_semaphore, #tpu.memory_space<semaphore_mem>>)
      %mul3A_355 = arith.constant 8 : i32
      %mul3A_356 = arith.muli %add3A_244, %mul3A_355 : i32
      %add3A_357 = arith.constant 7 : i32
      %add3A_358 = arith.addi %mul3A_356, %add3A_357 : i32
      %dma_start3A_359 = arith.constant 7 : i32
      %dma_start3A_360 = arith.constant 0 : i32
      %dma_start3A_361 = arith.constant 0 : i32
      %dma_start3A_362 = tpu.memref_slice %arg7[%dma_start3A_359, %dma_start3A_360, %dma_start3A_361] : memref<8x50x128xf32, #tpu.memory_space<vmem>> -> memref<1x50x128xf32, #tpu.memory_space<vmem>>
      %dma_start3A_363 = tpu.memref_squeeze %dma_start3A_362 : memref<1x50x128xf32, #tpu.memory_space<vmem>> -> memref<50x128xf32, #tpu.memory_space<vmem>>
      %dma_start3A_364 = arith.constant 0 : i32
      %dma_start3A_365 = tpu.memref_slice %arg5[%add3A_358, %dma_start3A_364] : memref<128x50xi32, #tpu.memory_space<vmem>> -> memref<1x50xi32, #tpu.memory_space<vmem>>
      %dma_start3A_366 = tpu.memref_squeeze %dma_start3A_365 : memref<1x50xi32, #tpu.memory_space<vmem>> -> memref<50xi32, #tpu.memory_space<vmem>>
      %dma_start3A_367 = arith.constant 0 : i32
      %dma_start3A_368 = arith.constant 0 : i32
      %dma_start3A_369 = tpu.memref_slice %arg2[%dma_start3A_367, %dma_start3A_368] : memref<100000x128xf32, #tpu.memory_space<hbm>> -> memref<100000x128xf32, #tpu.memory_space<hbm>>
      tpu.enqueue_indirect_dma source(%dma_start3A_369 : memref<100000x128xf32, #tpu.memory_space<hbm>>) target(%dma_start3A_363 : memref<50x128xf32, #tpu.memory_space<vmem>>) offsets(%dma_start3A_366 : memref<50xi32, #tpu.memory_space<vmem>>) semaphore(%arg9 : memref<!tpu.dma_semaphore, #tpu.memory_space<semaphore_mem>>)
      %dma_wait3A_370 = arith.constant 0 : i32
      %dma_wait3A_371 = arith.constant 0 : i32
      %dma_wait3A_372 = arith.constant 0 : i32
      %dma_wait3A_373 = tpu.memref_slice %arg7[%dma_wait3A_370, %dma_wait3A_371, %dma_wait3A_372] : memref<8x50x128xf32, #tpu.memory_space<vmem>> -> memref<1x50x128xf32, #tpu.memory_space<vmem>>
      %dma_wait3A_374 = tpu.memref_squeeze %dma_wait3A_373 : memref<1x50x128xf32, #tpu.memory_space<vmem>> -> memref<50x128xf32, #tpu.memory_space<vmem>>
      %dma_wait3A_375 = arith.constant 0 : i32
      %dma_wait3A_376 = tpu.memref_slice %arg5[%add3A_253, %dma_wait3A_375] : memref<128x50xi32, #tpu.memory_space<vmem>> -> memref<1x50xi32, #tpu.memory_space<vmem>>
      %dma_wait3A_377 = tpu.memref_squeeze %dma_wait3A_376 : memref<1x50xi32, #tpu.memory_space<vmem>> -> memref<50xi32, #tpu.memory_space<vmem>>
      %dma_wait3A_378 = arith.constant 0 : i32
      %dma_wait3A_379 = arith.constant 0 : i32
      %dma_wait3A_380 = tpu.memref_slice %arg2[%dma_wait3A_378, %dma_wait3A_379] : memref<100000x128xf32, #tpu.memory_space<hbm>> -> memref<100000x128xf32, #tpu.memory_space<hbm>>
      tpu.wait_indirect_dma semaphore(%arg9 : memref<!tpu.dma_semaphore, #tpu.memory_space<semaphore_mem>>) src(%dma_wait3A_380 : memref<100000x128xf32, #tpu.memory_space<hbm>>) dst(%dma_wait3A_374 : memref<50x128xf32, #tpu.memory_space<vmem>>)
      %dma_wait3A_381 = arith.constant 1 : i32
      %dma_wait3A_382 = arith.constant 0 : i32
      %dma_wait3A_383 = arith.constant 0 : i32
      %dma_wait3A_384 = tpu.memref_slice %arg7[%dma_wait3A_381, %dma_wait3A_382, %dma_wait3A_383] : memref<8x50x128xf32, #tpu.memory_space<vmem>> -> memref<1x50x128xf32, #tpu.memory_space<vmem>>
      %dma_wait3A_385 = tpu.memref_squeeze %dma_wait3A_384 : memref<1x50x128xf32, #tpu.memory_space<vmem>> -> memref<50x128xf32, #tpu.memory_space<vmem>>
      %dma_wait3A_386 = arith.constant 0 : i32
      %dma_wait3A_387 = tpu.memref_slice %arg5[%add3A_268, %dma_wait3A_386] : memref<128x50xi32, #tpu.memory_space<vmem>> -> memref<1x50xi32, #tpu.memory_space<vmem>>
      %dma_wait3A_388 = tpu.memref_squeeze %dma_wait3A_387 : memref<1x50xi32, #tpu.memory_space<vmem>> -> memref<50xi32, #tpu.memory_space<vmem>>
      %dma_wait3A_389 = arith.constant 0 : i32
      %dma_wait3A_390 = arith.constant 0 : i32
      %dma_wait3A_391 = tpu.memref_slice %arg2[%dma_wait3A_389, %dma_wait3A_390] : memref<100000x128xf32, #tpu.memory_space<hbm>> -> memref<100000x128xf32, #tpu.memory_space<hbm>>
      tpu.wait_indirect_dma semaphore(%arg9 : memref<!tpu.dma_semaphore, #tpu.memory_space<semaphore_mem>>) src(%dma_wait3A_391 : memref<100000x128xf32, #tpu.memory_space<hbm>>) dst(%dma_wait3A_385 : memref<50x128xf32, #tpu.memory_space<vmem>>)
      %dma_wait3A_392 = arith.constant 2 : i32
      %dma_wait3A_393 = arith.constant 0 : i32
      %dma_wait3A_394 = arith.constant 0 : i32
      %dma_wait3A_395 = tpu.memref_slice %arg7[%dma_wait3A_392, %dma_wait3A_393, %dma_wait3A_394] : memref<8x50x128xf32, #tpu.memory_space<vmem>> -> memref<1x50x128xf32, #tpu.memory_space<vmem>>
      %dma_wait3A_396 = tpu.memref_squeeze %dma_wait3A_395 : memref<1x50x128xf32, #tpu.memory_space<vmem>> -> memref<50x128xf32, #tpu.memory_space<vmem>>
      %dma_wait3A_397 = arith.constant 0 : i32
      %dma_wait3A_398 = tpu.memref_slice %arg5[%add3A_283, %dma_wait3A_397] : memref<128x50xi32, #tpu.memory_space<vmem>> -> memref<1x50xi32, #tpu.memory_space<vmem>>
      %dma_wait3A_399 = tpu.memref_squeeze %dma_wait3A_398 : memref<1x50xi32, #tpu.memory_space<vmem>> -> memref<50xi32, #tpu.memory_space<vmem>>
      %dma_wait3A_400 = arith.constant 0 : i32
      %dma_wait3A_401 = arith.constant 0 : i32
      %dma_wait3A_402 = tpu.memref_slice %arg2[%dma_wait3A_400, %dma_wait3A_401] : memref<100000x128xf32, #tpu.memory_space<hbm>> -> memref<100000x128xf32, #tpu.memory_space<hbm>>
      tpu.wait_indirect_dma semaphore(%arg9 : memref<!tpu.dma_semaphore, #tpu.memory_space<semaphore_mem>>) src(%dma_wait3A_402 : memref<100000x128xf32, #tpu.memory_space<hbm>>) dst(%dma_wait3A_396 : memref<50x128xf32, #tpu.memory_space<vmem>>)
      %dma_wait3A_403 = arith.constant 3 : i32
      %dma_wait3A_404 = arith.constant 0 : i32
      %dma_wait3A_405 = arith.constant 0 : i32
      %dma_wait3A_406 = tpu.memref_slice %arg7[%dma_wait3A_403, %dma_wait3A_404, %dma_wait3A_405] : memref<8x50x128xf32, #tpu.memory_space<vmem>> -> memref<1x50x128xf32, #tpu.memory_space<vmem>>
      %dma_wait3A_407 = tpu.memref_squeeze %dma_wait3A_406 : memref<1x50x128xf32, #tpu.memory_space<vmem>> -> memref<50x128xf32, #tpu.memory_space<vmem>>
      %dma_wait3A_408 = arith.constant 0 : i32
      %dma_wait3A_409 = tpu.memref_slice %arg5[%add3A_298, %dma_wait3A_408] : memref<128x50xi32, #tpu.memory_space<vmem>> -> memref<1x50xi32, #tpu.memory_space<vmem>>
      %dma_wait3A_410 = tpu.memref_squeeze %dma_wait3A_409 : memref<1x50xi32, #tpu.memory_space<vmem>> -> memref<50xi32, #tpu.memory_space<vmem>>
      %dma_wait3A_411 = arith.constant 0 : i32
      %dma_wait3A_412 = arith.constant 0 : i32
      %dma_wait3A_413 = tpu.memref_slice %arg2[%dma_wait3A_411, %dma_wait3A_412] : memref<100000x128xf32, #tpu.memory_space<hbm>> -> memref<100000x128xf32, #tpu.memory_space<hbm>>
      tpu.wait_indirect_dma semaphore(%arg9 : memref<!tpu.dma_semaphore, #tpu.memory_space<semaphore_mem>>) src(%dma_wait3A_413 : memref<100000x128xf32, #tpu.memory_space<hbm>>) dst(%dma_wait3A_407 : memref<50x128xf32, #tpu.memory_space<vmem>>)
      %dma_wait3A_414 = arith.constant 4 : i32
      %dma_wait3A_415 = arith.constant 0 : i32
      %dma_wait3A_416 = arith.constant 0 : i32
      %dma_wait3A_417 = tpu.memref_slice %arg7[%dma_wait3A_414, %dma_wait3A_415, %dma_wait3A_416] : memref<8x50x128xf32, #tpu.memory_space<vmem>> -> memref<1x50x128xf32, #tpu.memory_space<vmem>>
      %dma_wait3A_418 = tpu.memref_squeeze %dma_wait3A_417 : memref<1x50x128xf32, #tpu.memory_space<vmem>> -> memref<50x128xf32, #tpu.memory_space<vmem>>
      %dma_wait3A_419 = arith.constant 0 : i32
      %dma_wait3A_420 = tpu.memref_slice %arg5[%add3A_313, %dma_wait3A_419] : memref<128x50xi32, #tpu.memory_space<vmem>> -> memref<1x50xi32, #tpu.memory_space<vmem>>
      %dma_wait3A_421 = tpu.memref_squeeze %dma_wait3A_420 : memref<1x50xi32, #tpu.memory_space<vmem>> -> memref<50xi32, #tpu.memory_space<vmem>>
      %dma_wait3A_422 = arith.constant 0 : i32
      %dma_wait3A_423 = arith.constant 0 : i32
      %dma_wait3A_424 = tpu.memref_slice %arg2[%dma_wait3A_422, %dma_wait3A_423] : memref<100000x128xf32, #tpu.memory_space<hbm>> -> memref<100000x128xf32, #tpu.memory_space<hbm>>
      tpu.wait_indirect_dma semaphore(%arg9 : memref<!tpu.dma_semaphore, #tpu.memory_space<semaphore_mem>>) src(%dma_wait3A_424 : memref<100000x128xf32, #tpu.memory_space<hbm>>) dst(%dma_wait3A_418 : memref<50x128xf32, #tpu.memory_space<vmem>>)
      %dma_wait3A_425 = arith.constant 5 : i32
      %dma_wait3A_426 = arith.constant 0 : i32
      %dma_wait3A_427 = arith.constant 0 : i32
      %dma_wait3A_428 = tpu.memref_slice %arg7[%dma_wait3A_425, %dma_wait3A_426, %dma_wait3A_427] : memref<8x50x128xf32, #tpu.memory_space<vmem>> -> memref<1x50x128xf32, #tpu.memory_space<vmem>>
      %dma_wait3A_429 = tpu.memref_squeeze %dma_wait3A_428 : memref<1x50x128xf32, #tpu.memory_space<vmem>> -> memref<50x128xf32, #tpu.memory_space<vmem>>
      %dma_wait3A_430 = arith.constant 0 : i32
      %dma_wait3A_431 = tpu.memref_slice %arg5[%add3A_328, %dma_wait3A_430] : memref<128x50xi32, #tpu.memory_space<vmem>> -> memref<1x50xi32, #tpu.memory_space<vmem>>
      %dma_wait3A_432 = tpu.memref_squeeze %dma_wait3A_431 : memref<1x50xi32, #tpu.memory_space<vmem>> -> memref<50xi32, #tpu.memory_space<vmem>>
      %dma_wait3A_433 = arith.constant 0 : i32
      %dma_wait3A_434 = arith.constant 0 : i32
      %dma_wait3A_435 = tpu.memref_slice %arg2[%dma_wait3A_433, %dma_wait3A_434] : memref<100000x128xf32, #tpu.memory_space<hbm>> -> memref<100000x128xf32, #tpu.memory_space<hbm>>
      tpu.wait_indirect_dma semaphore(%arg9 : memref<!tpu.dma_semaphore, #tpu.memory_space<semaphore_mem>>) src(%dma_wait3A_435 : memref<100000x128xf32, #tpu.memory_space<hbm>>) dst(%dma_wait3A_429 : memref<50x128xf32, #tpu.memory_space<vmem>>)
      %dma_wait3A_436 = arith.constant 6 : i32
      %dma_wait3A_437 = arith.constant 0 : i32
      %dma_wait3A_438 = arith.constant 0 : i32
      %dma_wait3A_439 = tpu.memref_slice %arg7[%dma_wait3A_436, %dma_wait3A_437, %dma_wait3A_438] : memref<8x50x128xf32, #tpu.memory_space<vmem>> -> memref<1x50x128xf32, #tpu.memory_space<vmem>>
      %dma_wait3A_440 = tpu.memref_squeeze %dma_wait3A_439 : memref<1x50x128xf32, #tpu.memory_space<vmem>> -> memref<50x128xf32, #tpu.memory_space<vmem>>
      %dma_wait3A_441 = arith.constant 0 : i32
      %dma_wait3A_442 = tpu.memref_slice %arg5[%add3A_343, %dma_wait3A_441] : memref<128x50xi32, #tpu.memory_space<vmem>> -> memref<1x50xi32, #tpu.memory_space<vmem>>
      %dma_wait3A_443 = tpu.memref_squeeze %dma_wait3A_442 : memref<1x50xi32, #tpu.memory_space<vmem>> -> memref<50xi32, #tpu.memory_space<vmem>>
      %dma_wait3A_444 = arith.constant 0 : i32
      %dma_wait3A_445 = arith.constant 0 : i32
      %dma_wait3A_446 = tpu.memref_slice %arg2[%dma_wait3A_444, %dma_wait3A_445] : memref<100000x128xf32, #tpu.memory_space<hbm>> -> memref<100000x128xf32, #tpu.memory_space<hbm>>
      tpu.wait_indirect_dma semaphore(%arg9 : memref<!tpu.dma_semaphore, #tpu.memory_space<semaphore_mem>>) src(%dma_wait3A_446 : memref<100000x128xf32, #tpu.memory_space<hbm>>) dst(%dma_wait3A_440 : memref<50x128xf32, #tpu.memory_space<vmem>>)
      %dma_wait3A_447 = arith.constant 7 : i32
      %dma_wait3A_448 = arith.constant 0 : i32
      %dma_wait3A_449 = arith.constant 0 : i32
      %dma_wait3A_450 = tpu.memref_slice %arg7[%dma_wait3A_447, %dma_wait3A_448, %dma_wait3A_449] : memref<8x50x128xf32, #tpu.memory_space<vmem>> -> memref<1x50x128xf32, #tpu.memory_space<vmem>>
      %dma_wait3A_451 = tpu.memref_squeeze %dma_wait3A_450 : memref<1x50x128xf32, #tpu.memory_space<vmem>> -> memref<50x128xf32, #tpu.memory_space<vmem>>
      %dma_wait3A_452 = arith.constant 0 : i32
      %dma_wait3A_453 = tpu.memref_slice %arg5[%add3A_358, %dma_wait3A_452] : memref<128x50xi32, #tpu.memory_space<vmem>> -> memref<1x50xi32, #tpu.memory_space<vmem>>
      %dma_wait3A_454 = tpu.memref_squeeze %dma_wait3A_453 : memref<1x50xi32, #tpu.memory_space<vmem>> -> memref<50xi32, #tpu.memory_space<vmem>>
      %dma_wait3A_455 = arith.constant 0 : i32
      %dma_wait3A_456 = arith.constant 0 : i32
      %dma_wait3A_457 = tpu.memref_slice %arg2[%dma_wait3A_455, %dma_wait3A_456] : memref<100000x128xf32, #tpu.memory_space<hbm>> -> memref<100000x128xf32, #tpu.memory_space<hbm>>
      tpu.wait_indirect_dma semaphore(%arg9 : memref<!tpu.dma_semaphore, #tpu.memory_space<semaphore_mem>>) src(%dma_wait3A_457 : memref<100000x128xf32, #tpu.memory_space<hbm>>) dst(%dma_wait3A_451 : memref<50x128xf32, #tpu.memory_space<vmem>>)
      %mul3A_458 = arith.constant 8 : i32
      %mul3A_459 = arith.muli %add3A_244, %mul3A_458 : i32
      %add3A_460 = arith.addi %mul3A_2, %mul3A_459 : i32
      %dma_start3A_461 = arith.constant 0 : i32
      %dma_start3A_462 = arith.constant 0 : i32
      %dma_start3A_463 = tpu.memref_slice %arg4[%add3A_460, %dma_start3A_461, %dma_start3A_462] : memref<4096x50x128xf32, #tpu.memory_space<hbm>> -> memref<8x50x128xf32, #tpu.memory_space<hbm>>
      %dma_start3A_464 = arith.constant 0 : i32
      %dma_start3A_465 = arith.constant 0 : i32
      %dma_start3A_466 = tpu.memref_slice %arg4[%add3A_460, %dma_start3A_464, %dma_start3A_465] : memref<4096x50x128xf32, #tpu.memory_space<hbm>> -> memref<8x50x128xf32, #tpu.memory_space<hbm>>
      tpu.enqueue_dma source(%arg7 : memref<8x50x128xf32, #tpu.memory_space<vmem>>) target(%dma_start3A_466 : memref<8x50x128xf32, #tpu.memory_space<hbm>>) target_semaphore(%arg11 : memref<!tpu.dma_semaphore, #tpu.memory_space<semaphore_mem>>)
    }
    %scan3A_6 = arith.constant 8 : i32
    %dma_wait3A = arith.constant 0 : i32
    %dma_wait3A_7 = arith.constant 0 : i32
    %dma_wait3A_8 = tpu.memref_slice %arg4[%mul3A_2, %dma_wait3A, %dma_wait3A_7] : memref<4096x50x128xf32, #tpu.memory_space<hbm>> -> memref<8x50x128xf32, #tpu.memory_space<hbm>>
    %dma_wait3A_9 = arith.constant 0 : i32
    %dma_wait3A_10 = arith.constant 0 : i32
    %dma_wait3A_11 = tpu.memref_slice %arg4[%mul3A_2, %dma_wait3A_9, %dma_wait3A_10] : memref<4096x50x128xf32, #tpu.memory_space<hbm>> -> memref<8x50x128xf32, #tpu.memory_space<hbm>>
    tpu.wait_dma2 semaphore(%arg10 : memref<!tpu.dma_semaphore, #tpu.memory_space<semaphore_mem>>) src(%arg6 : memref<8x50x128xf32, #tpu.memory_space<vmem>>) dst(%dma_wait3A_11 : memref<8x50x128xf32, #tpu.memory_space<hbm>>)
    %dma_wait3A_12 = arith.constant 0 : i32
    %dma_wait3A_13 = arith.constant 0 : i32
    %dma_wait3A_14 = tpu.memref_slice %arg4[%mul3A_2, %dma_wait3A_12, %dma_wait3A_13] : memref<4096x50x128xf32, #tpu.memory_space<hbm>> -> memref<8x50x128xf32, #tpu.memory_space<hbm>>
    %dma_wait3A_15 = arith.constant 0 : i32
    %dma_wait3A_16 = arith.constant 0 : i32
    %dma_wait3A_17 = tpu.memref_slice %arg4[%mul3A_2, %dma_wait3A_15, %dma_wait3A_16] : memref<4096x50x128xf32, #tpu.memory_space<hbm>> -> memref<8x50x128xf32, #tpu.memory_space<hbm>>
    tpu.wait_dma2 semaphore(%arg11 : memref<!tpu.dma_semaphore, #tpu.memory_space<semaphore_mem>>) src(%arg7 : memref<8x50x128xf32, #tpu.memory_space<vmem>>) dst(%dma_wait3A_17 : memref<8x50x128xf32, #tpu.memory_space<hbm>>)
    return
  }
}

</mosaic_0001>

<sc_bundles>
// kernel: kernel.3.cloned.1.call-start
scs
__scs_entry_jumppad:
0x0: {  	(pc) =	sbr.rel $0x88, $3  }
0x1: {  	(tag) =	ssettag $0x0;
	lr =	simm.s32 $0x1  }
0x2: {  	[smem:$0x3F9F] =	sst lr;
	_ =	strace $0xD0000000  }
0x3: {  	_ = 	snop  }
0x4: {  	_ = 	snop  }
0x5: {  	_ = 	snop  }
0x6: {  	_ = 	snop  }
0x7: {  	_ = 	snop  }
__scs_overlays_trampoline_lowered:
0x8: {  	[smem:$0x3FAE] =	sst s0  }
0x9: {  	[smem:$0x3FAF] =	sst s1  }
0xa: {  	[smem:$0x3FB0] =	sst s2  }
0xb: {  	[smem:$0x3FB1] =	sst s3  }
0xc: {  	[smem:$0x3FB2] =	sst s4  }
0xd: {  	[smem:$0x3FB3] =	sst s5  }
0xe: {  	[smem:$0x3FB4] =	sst s6  }
0xf: {  	[smem:$0x3FB5] =	sst s7  }
0x10: {  	[smem:$0x3FB6] =	sst s8  }
0x11: {  	[smem:$0x3FB7] =	sst s9;
	s0 =	simm.s32 @!p0 $0x0  }
0x12: {  	s1 =	sld [smem:$0x3F9D];
	s0 =	simm.s32 @p0 $0x1  }
0x13: {  	[smem:$0x3FB8] =	sst s0;
	s0 =	simm.s32 @!p1 $0x0  }
0x14: {  	s2 =	sld [smem:$0x3F9C];
	s0 =	simm.s32 @p1 $0x1  }
0x15: {  	[smem:$0x3FB9] =	sst s0;
	s0 =	simm.s32 @!p2 $0x0  }
0x16: {  	s3 =	sld [smem:$0x3FDB];
	s0 =	simm.s32 @p2 $0x1  }
0x17: {  	s4 =	simm.s32 $0x1BF5;
	[smem:$0x3FBB] =	sst s0  }
0x18: {  	s0 =	sld [smem:$0x3F9E];
	_ =	swait.ge [sflag:s4], $0x0  }
0x19: {  	s7 =	sld [smem:$0x3F9F]  }
0x1a: {  	s8 =	sadd.s32 $0xFFFFE003, lr  }
0x1b: {  	s9 =	sadd.s32 $0xFFFFFEF7, lr;
	s5 =	simm.s32 $0xFFFFFFFF;
	p2 =	slt.u32 s8, $0xFFFFF086  }
0x1c: {  	p1 =	slt.u32 s9, $0xF7A;
	s5 =	simm.s32 @!p2 $0x0  }
0x1d: {  	s5 =	simm.s32 @p1 $0x1;
	p0 =	seq.s32 s7, s2  }
0x1e: {  	s7 =	smul.u32 @!p0 $0xF7A, s2;
	p2 =	seq.s32 @!p0 s5, $0x0  }
0x1f: {  	s9 =	smul.u32 $0xF7A, s1;
	s8 =	simm.s32 @!p0 $0x1BF5;
	p2 =	por !p2, p0  }
0x20: {  	[sflag:s8] =	ssyncset.s32 @!p0 $0xFFFFF086;
	s6 =	sadd.s32 @!p0 s3, s7;
	s7 =	simm.s32 @!p0 $0x108  }
0x21: {  	s3 =	sadd.s32 s3, s9;
	s6 =	sadd.s32 @!p0 $0x88, s6;
	s7 =	simm.s32 @p2 $0x1082  }
0x22: {  	[simem:s7], [sflag:s8] =	dma.local @!p0 [hbm:s6], $0xF7A  }
0x23: {  	s9 =	sor.u32 $0xD0000000, s2;
	s6 =	simm.s32 $0x108;
	_ =	swait.ge @!p0 [sflag:s8], $0x0  }
0x24: {  	s3 =	sadd.s32 $0x88, s3;
	s6 =	simm.s32 @!p1 $0x1082;
	[sflag:s4] =	ssyncset.s32 $0xFFFFF086  }
0x25: {  	[simem:s6], [sflag:s4] =	dma.local [hbm:s3], $0xF7A  }
0x26: {  	[smem:$0x3F9F] =	sst s1;
	(tag) =	ssettag s2;
	_ =	strace s9  }
0x27: {  	s1 =	sld [smem:$0x3FAF]  }
0x28: {  	s2 =	sld [smem:$0x3FB0]  }
0x29: {  	s4 =	sld [smem:$0x3FB2]  }
0x2a: {  	p0 =	seq.s32 s5, $0x0;
	s5 =	sld [smem:$0x3FB3]  }
0x2b: {  	s6 =	sld [smem:$0x3FB4]  }
0x2c: {  	s7 =	sld [smem:$0x3FB5]  }
0x2d: {  	s3 =	simm.s32 $0x108;
	s8 =	sld [smem:$0x3FB6]  }
0x2e: {  	s3 =	simm.s32 @!p0 $0x1082;
	s9 =	sld [smem:$0x3FB7]  }
0x2f: {  	lr =	sadd.s32 s0, s3;
	s0 =	sld [smem:$0x3FAE]  }
0x30: {  	s3 =	sld [smem:$0x3FB1]  }
0x31: {  	[smem:$0x3FBA] =	sst s10  }
0x32: {  	s10 =	sld [smem:$0x3FB8];
	_ =	sdelay $0x3  }
0x33: {  	p0 =	seq.s32 s10, $0x1;
	s10 =	sld [smem:$0x3FBA];
	_ =	sdelay $0x3  }
0x34: {  	[smem:$0x3FBA] =	sst s10  }
0x35: {  	s10 =	sld [smem:$0x3FB9];
	_ =	sdelay $0x3  }
0x36: {  	p1 =	seq.s32 s10, $0x1;
	s10 =	sld [smem:$0x3FBA];
	_ =	sdelay $0x3  }
0x37: {  	[smem:$0x3FBA] =	sst s10  }
0x38: {  	s10 =	sld [smem:$0x3FBB]  }
0x39: {  	_ = 	snop;
	(pc) =	sbr.ind lr, $3  }
0x3a: {  	_ = 	snop  }
0x3b: {  	_ = 	snop  }
0x3c: {  	p2 =	seq.s32 s10, $0x1;
	s10 =	sld [smem:$0x3FBA]  }
0x3d: {  	_ =	shalt  }
0x3e: {  	_ =	shalt  }
0x3f: {  	_ =	shalt  }
0x40: {  	_ =	shalt  }
0x41: {  	_ =	shalt  }
0x42: {  	_ =	shalt  }
0x43: {  	_ =	shalt  }
0x44: {  	_ =	shalt  }
0x45: {  	_ =	shalt  }
0x46: {  	_ =	shalt  }
0x47: {  	_ =	shalt  }
0x48: {  	_ =	shalt  }
0x49: {  	_ =	shalt  }
0x4a: {  	_ =	shalt  }
0x4b: {  	_ =	shalt  }
0x4c: {  	_ =	shalt  }
0x4d: {  	_ =	shalt  }
0x4e: {  	_ =	shalt  }
0x4f: {  	_ =	shalt  }
0x50: {  	_ =	shalt  }
0x51: {  	_ =	shalt  }
0x52: {  	_ =	shalt  }
0x53: {  	_ =	shalt  }
0x54: {  	_ =	shalt  }
0x55: {  	_ =	shalt  }
0x56: {  	_ =	shalt  }
0x57: {  	_ =	shalt  }
0x58: {  	_ =	shalt  }
0x59: {  	_ =	shalt  }
0x5a: {  	_ =	shalt  }
0x5b: {  	_ =	shalt  }
0x5c: {  	_ =	shalt  }
0x5d: {  	_ =	shalt  }
0x5e: {  	_ =	shalt  }
0x5f: {  	_ =	shalt  }
0x60: {  	_ =	shalt  }
0x61: {  	_ =	shalt  }
0x62: {  	_ =	shalt  }
0x63: {  	_ =	shalt  }
0x64: {  	_ =	shalt  }
0x65: {  	_ =	shalt  }
0x66: {  	_ =	shalt  }
0x67: {  	_ =	shalt  }
0x68: {  	_ =	shalt  }
0x69: {  	_ =	shalt  }
0x6a: {  	_ =	shalt  }
0x6b: {  	_ =	shalt  }
0x6c: {  	_ =	shalt  }
0x6d: {  	_ =	shalt  }
0x6e: {  	_ =	shalt  }
0x6f: {  	_ =	shalt  }
0x70: {  	_ =	shalt  }
0x71: {  	_ =	shalt  }
0x72: {  	_ =	shalt  }
0x73: {  	_ =	shalt  }
0x74: {  	_ =	shalt  }
0x75: {  	_ =	shalt  }
0x76: {  	_ =	shalt  }
0x77: {  	_ =	shalt  }
0x78: {  	_ =	shalt  }
0x79: {  	_ =	shalt  }
0x7a: {  	_ =	shalt  }
0x7b: {  	_ =	shalt  }
0x7c: {  	_ =	shalt  }
0x7d: {  	_ =	shalt  }
0x7e: {  	_ =	shalt  }
0x7f: {  	_ =	shalt  }
0x80: {  	_ =	shalt  }
0x81: {  	_ =	shalt  }
0x82: {  	_ =	shalt  }
0x83: {  	_ =	shalt  }
0x84: {  	_ =	shalt  }
0x85: {  	_ =	shalt  }
0x86: {  	_ =	shalt  }
0x87: {  	_ =	shalt  }
.Lfunc_end0:
.L_simem_size_0:
called_computation_lowered:
.L_overlay_start_0:
0x88: {  	s2 =	sld [smem:$0x3FD9]  }
0x89: {  	s3 =	sld [smem:$0x3FFE];
	_ =	sdelay $0x1  }
0x8a: {  	s1 =	srdreg.scid  }
0x8b: {  	s0 =	sand.u32 $0x1, s1  }
0x8c: {  	s17 =	sshll.u32 s0, $0xA;
	s2 =	sadd.s32 s3, s2  }
0x8d: {  	s2 =	sadd.s32 s2, s17  }
0x8e: {  	[smem:$0x3FC6] =	sst s2  }
0x8f: {  	_ = 	snop  }
0x90: {  	s2 =	sld [smem:$0x3FC8]  }
0x91: {  	s18 =	sld [smem:$0x3FD0];
	(tm) =	ssettm $0x1  }
0x92: {  	s4 =	sld [smem:$0x3FFB];
	_ =	sdelay $0x3  }
0x93: {  	_ =	strace s4  }
0x94: {  	s4 =	sld [smem:$0x3FFC];
	_ =	sdelay $0x3  }
0x95: {  	_ =	strace s4  }
0x96: {  	s4 =	sld [smem:$0x3FFD];
	_ =	sdelay $0x3  }
0x97: {  	_ =	strace s4  }
0x98: {  	_ =	strace $0x8FFFFFFF  }
0x99: {  	s19 =	sld [smem:$0x3FDB];
	_ =	sdelay $0x1  }
0x9a: {  	s5 =	simm.s32 $_scs_section_size  }
0x9b: {  	s6 =	simm.s32 $_size__tile_overlayer_lowered;
	s7 =	simm.s32 $_tile_overlayer_lowered  }
0x9c: {  	s22 =	simm.s32 $0x1BFF;
	s21 =	sshll.u32 s7, $0x1;
	s4 =	sadd.s32 s5, s19  }
0x9d: {  	s8 =	simm.s32 $0x0;
	s20 =	sshll.u32 s6, $0x1;
	s6 =	sadd.s32 s21, s4  }
0x9e: {  	[timem:s8], [sflag:s22] =	dma.local [hbm:s6], s20  }
0x9f: {  	_ =	swait.ge [sflag:s22], s20  }
0xa0: {  	s5 =	ssub.s32 $0x0, s20;
	[sflag:s22] =	ssyncset.done $0x0  }
0xa1: {  	[sflag:s22] =	ssyncadd.s32 s5;
	_ =	sdelay $0x1  }
0xa2: {  	s23 =	simm.s32 $0x1B8B  }
0xa3: {  	_ =	swait.ge [sflag:s23], $0x1  }
0xa4: {  	[sflag:s23] =	ssyncset.done $0x0  }
0xa5: {  	s25 =	simm.s32 $0x1B8E;
	s24 =	sld [smem:$0x3FFE];
	[sflag:s23] =	ssyncadd.s32 $0xFFFFFFFF  }
0xa6: {  	s26 =	simm.s32 $execute0_lowered;
	[smem:$0x3FD2] =	sst s25  }
0xa7: {  	s6 =	sshll.u32 s26, $0x1;
	_ =	strace $0x80000046;
	[dreg:$0x1] =	wrdreg $0xFFFFFFFF  }
0xa8: {  	s28 =	simm.s32 $_size_execute0_lowered;
	s4 =	sadd.s32 s4, s6;
	[dreg:$0x0] =	wrdreg $0x0  }
0xa9: {  	s6 =	sshll.u32 s28, $0x1;
	[dreg:$0x2] =	wrdreg s4  }
0xaa: {  	[dreg:$0x3] =	wrdreg s6  }
0xab: {  	[dreg:$0x4] =	wrdreg $0xC0  }
0xac: {  	_ =	task [dreg:s8], $0x5FFFF  }
0xad: {  	[dreg:$0x1] =	wrdreg $0xFFFFFFFF  }
0xae: {  	[dreg:$0x0] =	wrdreg $0x60  }
0xaf: {  	[dreg:$0x2] =	wrdreg s2  }
0xb0: {  	[dreg:$0x3] =	wrdreg s18  }
0xb1: {  	[dreg:$0x4] =	wrdreg s24  }
0xb2: {  	[dreg:$0x5] =	wrdreg $0x9  }
0xb3: {  	_ =	task.clear_ibuf [dreg:s8], $0x6FFFF;
	_ =	strace $0x90000046  }
0xb4: {  	s29 =	simm.s32 $0x9;
	_ =	strace $0x80000048  }
0xb5: {  	_ =	swait.ge [sflag:s29], $0x1  }
0xb6: {  	[sflag:s29] =	ssyncadd.s32 $0xFFFFFFFF  }
0xb7: {  	_ =	strace $0x90000048  }
0xb8: {  	_ =	sfence  }
0xb9: {  	s30 =	sld [smem:$0x0];
	_ =	sdelay $0x2  }
0xba: {  	s31 =	sshll.u32 s1, $0xD;
	s1 =	sshrl.u32 s1, $0x2  }
0xbb: {  	s3 =	sand.u32 $0x4000, s31;
	s1 =	sadd.s32 s1, s30  }
0xbc: {  	s0 =	sor.u32 s3, s0;
	s1 =	sshll.u32 s1, $0x11  }
0xbd: {  	s0 =	sor.u32 s1, s0  }
0xbe: {  	s0 =	sadd.s32 $0x8F2B, s0  }
0xbf: {  	[sflag:s0] =	ssyncadd.remote.s32 $0x1  }
0xc0: {  	_ =	sfence.sel $0xFFFF  }
0xc1: {  	[dreg:$0x0] =	wrdreg $0xFFFFFFFF;
	(pc) =	sbr.abs _section_cstart, $3  }
0xc2: {  	[dreg:$0x1] =	wrdreg $0xFFFFFFFF  }
0xc3: {  	_ =	task.clear_ibuf [dreg:s8], $0x2FFFF;
	_ =	strace $0x9FFFFFFF  }
0xc4: {  	(tm) =	ssettm $0x7FFFFFFF  }
0xc5: {  	_ =	shalt  }
tec
execute0_lowered:
.L_overlay_start_1:
0x0: {  	(tag) =	ssettag $0x1  }
0x1: {  	s1 =	rddreg [dreg:$0x0]  }
0x2: {  	s0 =	rddreg [dreg:$0x1]  }
0x3: {  	s3 =	rddreg [dreg:$0x2];
	s2 =	simm.s32 $0x0  }
0x4: {  	s4 =	srdreg.scid;
	s9 =	stileid.u32;
	s10 =	simm.s32 $0x5C00  }
0x5: {  	s11 =	simm.s32 $0x7800;
	s12 =	simm.s32 $0x9400;
	s13 =	simm.s32 $0xB000  }
0x6: {  	s14 =	simm.s32 $0xCC00;
	s15 =	simm.s32 $0xE800;
	s16 =	simm.s32 $0x10400  }
0x7: {  	s17 =	simm.s32 $0x1;
	s18 =	simm.s32 $0x12000;
	s19 =	simm.s32 $0x13C00  }
0x8: {  	s20 =	simm.s32 $0x15800;
	s21 =	simm.s32 $0x17400;
	s22 =	simm.s32 $0x19000  }
0x9: {  	s23 =	simm.s32 $0x1AC00;
	s24 =	simm.s32 $0x1C800;
	s25 =	simm.s32 $0x1E400  }
0xa: {  	s28 =	simm.s32 $0x3;
	s29 =	simm.s32 $0x4;
	s30 =	simm.s32 $0x0  }
0xb: {  	[smem:$0x7FF] =	sst s2;
	s4 =	sand.u32 $0x1, s4;
	s8 =	sshll.u32 s9, $0xB  }
0xc: {  	s5 =	ssub.s32 $0x2, s4;
	s6 =	smul.u32 $0x1C0000, s4;
	s4 =	sshll.u32 s4, $0xF  }
0xd: {  	s9 =	smul.u32 $0x1C000, s9;
	_ =	strace $0x80000047;
	s4 =	sor.u32 s8, s4  }
0xe: {  	s7 =	sshrl.u32 s5, $0x1;
	s8 =	simm.s32 $0x32;
	s0 =	sadd.s32 s0, s4  }
0xf: {  	s3 =	sadd.s32 s6, s3;
	s5 =	ssub.s32 s5, s7;
	[dreg:$0x4] =	wrdreg s0  }
0x10: {  	s26 =	smax.u32 s5, $0x1;
	s31 =	sadd.s32 s9, s3;
	s9 =	simm.s32 $0x4000  }
0x11: {  	[dreg:$0x5] =	wrdreg s26;
	s6 =	sadd.s32 $0x400, s31;
	s26 =	simm.s32 $0x2  }
.LBB2_1:
0x12: {  	s0 =	rddreg [dreg:$0x4];
	s3 =	simm.s32 $0x5  }
0x13: {  	[tilespmem:s2], [sflag:$0x5] =	stream.linear.gather [hbm4b:s0+s2], $0x4000, $0x38;
	v63 =	vld [tilespmem:$0x0]  }
0x14: {  	p0 =	por $0x1, $0x1;
	_ =	swait.ge [sflag:s3], $0x4000  }
0x15: {  	p0 =	por p0, p0;
	[sflag:s3] =	ssyncset.done $0x0  }
0x16: {  	s0 =	simm.s32 @!p0 $0x3;
	[sflag:s3] =	ssyncadd.s32 $0xFFFFC000  }
0x17: {  	_ =	swait.ge @!p0 [sflag:s0], $0xC800  }
0x18: {  	[sflag:s0] =	ssyncset.done @!p0 $0x0  }
0x19: {  	s4 =	simm.s32 $0x0;
	[sflag:s0] =	ssyncadd.s32 @!p0 $0xFFFF3800  }
0x1a: {  	[tilespmem:s9], [sflag:$0x1] =	stream.indirect.gather [hbm4b:s1+s8], $0x80, s4, s8, $0xb8;
	v63 =	vld [tilespmem:$0x0]  }
0x1b: {  	s5 =	simm.s32 $0x80  }
0x1c: {  	[tilespmem:s10], [sflag:$0x1] =	stream.indirect.gather [hbm4b:s1+s8], $0x80, s5, s8, $0xb8;
	v63 =	vld [tilespmem:$0x0]  }
0x1d: {  	s7 =	simm.s32 $0x100  }
0x1e: {  	[tilespmem:s11], [sflag:$0x1] =	stream.indirect.gather [hbm4b:s1+s8], $0x80, s7, s8, $0xb8;
	v63 =	vld [tilespmem:$0x0]  }
0x1f: {  	s3 =	simm.s32 $0x180  }
0x20: {  	[tilespmem:s12], [sflag:$0x1] =	stream.indirect.gather [hbm4b:s1+s8], $0x80, s3, s8, $0xb8;
	v63 =	vld [tilespmem:$0x0]  }
0x21: {  	s4 =	simm.s32 $0x200  }
0x22: {  	[tilespmem:s13], [sflag:$0x1] =	stream.indirect.gather [hbm4b:s1+s8], $0x80, s4, s8, $0xb8;
	v63 =	vld [tilespmem:$0x0]  }
0x23: {  	s5 =	simm.s32 $0x280  }
0x24: {  	[tilespmem:s14], [sflag:$0x1] =	stream.indirect.gather [hbm4b:s1+s8], $0x80, s5, s8, $0xb8;
	v63 =	vld [tilespmem:$0x0]  }
0x25: {  	s7 =	simm.s32 $0x300  }
0x26: {  	[tilespmem:s15], [sflag:$0x1] =	stream.indirect.gather [hbm4b:s1+s8], $0x80, s7, s8, $0xb8;
	v63 =	vld [tilespmem:$0x0]  }
0x27: {  	s3 =	simm.s32 $0x380  }
0x28: {  	[tilespmem:s16], [sflag:$0x1] =	stream.indirect.gather [hbm4b:s1+s8], $0x80, s3, s8, $0xb8;
	v63 =	vld [tilespmem:$0x0]  }
0x29: {  	_ =	swait.ge [sflag:s17], $0x1900  }
0x2a: {  	[sflag:s17] =	ssyncset.done $0x0  }
0x2b: {  	[sflag:s17] =	ssyncadd.s32 $0xFFFFE700  }
0x2c: {  	_ =	swait.ge [sflag:s17], $0x1900  }
0x2d: {  	[sflag:s17] =	ssyncset.done $0x0  }
0x2e: {  	[sflag:s17] =	ssyncadd.s32 $0xFFFFE700  }
0x2f: {  	_ =	swait.ge [sflag:s17], $0x1900  }
0x30: {  	[sflag:s17] =	ssyncset.done $0x0  }
0x31: {  	[sflag:s17] =	ssyncadd.s32 $0xFFFFE700  }
0x32: {  	_ =	swait.ge [sflag:s17], $0x1900  }
0x33: {  	[sflag:s17] =	ssyncset.done $0x0  }
0x34: {  	[sflag:s17] =	ssyncadd.s32 $0xFFFFE700  }
0x35: {  	_ =	swait.ge [sflag:s17], $0x1900  }
0x36: {  	[sflag:s17] =	ssyncset.done $0x0  }
0x37: {  	[sflag:s17] =	ssyncadd.s32 $0xFFFFE700  }
0x38: {  	_ =	swait.ge [sflag:s17], $0x1900  }
0x39: {  	[sflag:s17] =	ssyncset.done $0x0  }
0x3a: {  	[sflag:s17] =	ssyncadd.s32 $0xFFFFE700  }
0x3b: {  	_ =	swait.ge [sflag:s17], $0x1900  }
0x3c: {  	[sflag:s17] =	ssyncset.done $0x0  }
0x3d: {  	[sflag:s17] =	ssyncadd.s32 $0xFFFFE700  }
0x3e: {  	_ =	swait.ge [sflag:s17], $0x1900  }
0x3f: {  	[sflag:s17] =	ssyncset.done $0x0  }
0x40: {  	[sflag:s17] =	ssyncadd.s32 $0xFFFFE700  }
0x41: {  	[hbm4b:s6+s2] =	stream.linear.scatter [tilespmem:s9], [sflag:$0x3], $0x1900, $0x38;
	v63 =	vld [tilespmem:$0x0]  }
0x42: {  	s4 =	sadd.s32 $0x380, s6  }
0x43: {  	[hbm4b:s4+s2] =	stream.linear.scatter [tilespmem:s10], [sflag:$0x3], $0x1900, $0x38;
	v63 =	vld [tilespmem:$0x0]  }
0x44: {  	s5 =	sadd.s32 $0x700, s6  }
0x45: {  	[hbm4b:s5+s2] =	stream.linear.scatter [tilespmem:s11], [sflag:$0x3], $0x1900, $0x38;
	v63 =	vld [tilespmem:$0x0]  }
0x46: {  	s7 =	sadd.s32 $0xA80, s6  }
0x47: {  	[hbm4b:s7+s2] =	stream.linear.scatter [tilespmem:s12], [sflag:$0x3], $0x1900, $0x38;
	v63 =	vld [tilespmem:$0x0]  }
0x48: {  	s3 =	sadd.s32 $0xE00, s6  }
0x49: {  	[hbm4b:s3+s2] =	stream.linear.scatter [tilespmem:s13], [sflag:$0x3], $0x1900, $0x38;
	v63 =	vld [tilespmem:$0x0]  }
0x4a: {  	s4 =	sadd.s32 $0x1180, s6  }
0x4b: {  	[hbm4b:s4+s2] =	stream.linear.scatter [tilespmem:s14], [sflag:$0x3], $0x1900, $0x38;
	v63 =	vld [tilespmem:$0x0]  }
0x4c: {  	s5 =	sadd.s32 $0x1500, s6  }
0x4d: {  	[hbm4b:s5+s2] =	stream.linear.scatter [tilespmem:s15], [sflag:$0x3], $0x1900, $0x38;
	v63 =	vld [tilespmem:$0x0]  }
0x4e: {  	s7 =	sadd.s32 $0x1880, s6;
	s3 =	simm.s32 @!p0 $0x4  }
0x4f: {  	[hbm4b:s7+s2] =	stream.linear.scatter [tilespmem:s16], [sflag:$0x3], $0x1900, $0x38;
	v63 =	vld [tilespmem:$0x0]  }
0x50: {  	_ =	swait.ge @!p0 [sflag:s3], $0xC800  }
0x51: {  	[sflag:s3] =	ssyncset.done @!p0 $0x0  }
0x52: {  	s4 =	simm.s32 $0x400;
	[sflag:s3] =	ssyncadd.s32 @!p0 $0xFFFF3800  }
0x53: {  	[tilespmem:s18], [sflag:$0x2] =	stream.indirect.gather [hbm4b:s1+s8], $0x80, s4, s8, $0xb8;
	v63 =	vld [tilespmem:$0x0]  }
0x54: {  	s5 =	simm.s32 $0x480  }
0x55: {  	[tilespmem:s19], [sflag:$0x2] =	stream.indirect.gather [hbm4b:s1+s8], $0x80, s5, s8, $0xb8;
	v63 =	vld [tilespmem:$0x0]  }
0x56: {  	s7 =	simm.s32 $0x500  }
0x57: {  	[tilespmem:s20], [sflag:$0x2] =	stream.indirect.gather [hbm4b:s1+s8], $0x80, s7, s8, $0xb8;
	v63 =	vld [tilespmem:$0x0]  }
0x58: {  	s3 =	simm.s32 $0x580  }
0x59: {  	[tilespmem:s21], [sflag:$0x2] =	stream.indirect.gather [hbm4b:s1+s8], $0x80, s3, s8, $0xb8;
	v63 =	vld [tilespmem:$0x0]  }
0x5a: {  	s4 =	simm.s32 $0x600  }
0x5b: {  	[tilespmem:s22], [sflag:$0x2] =	stream.indirect.gather [hbm4b:s1+s8], $0x80, s4, s8, $0xb8;
	v63 =	vld [tilespmem:$0x0]  }
0x5c: {  	s5 =	simm.s32 $0x680  }
0x5d: {  	[tilespmem:s23], [sflag:$0x2] =	stream.indirect.gather [hbm4b:s1+s8], $0x80, s5, s8, $0xb8;
	v63 =	vld [tilespmem:$0x0]  }
0x5e: {  	s7 =	simm.s32 $0x700  }
0x5f: {  	[tilespmem:s24], [sflag:$0x2] =	stream.indirect.gather [hbm4b:s1+s8], $0x80, s7, s8, $0xb8;
	v63 =	vld [tilespmem:$0x0]  }
0x60: {  	s3 =	simm.s32 $0x780  }
0x61: {  	[tilespmem:s25], [sflag:$0x2] =	stream.indirect.gather [hbm4b:s1+s8], $0x80, s3, s8, $0xb8;
	v63 =	vld [tilespmem:$0x0]  }
0x62: {  	_ =	swait.ge [sflag:s26], $0x1900  }
0x63: {  	[sflag:s26] =	ssyncset.done $0x0  }
0x64: {  	[sflag:s26] =	ssyncadd.s32 $0xFFFFE700  }
0x65: {  	_ =	swait.ge [sflag:s26], $0x1900  }
0x66: {  	[sflag:s26] =	ssyncset.done $0x0  }
0x67: {  	[sflag:s26] =	ssyncadd.s32 $0xFFFFE700  }
0x68: {  	_ =	swait.ge [sflag:s26], $0x1900  }
0x69: {  	[sflag:s26] =	ssyncset.done $0x0  }
0x6a: {  	[sflag:s26] =	ssyncadd.s32 $0xFFFFE700  }
0x6b: {  	_ =	swait.ge [sflag:s26], $0x1900  }
0x6c: {  	[sflag:s26] =	ssyncset.done $0x0  }
0x6d: {  	[sflag:s26] =	ssyncadd.s32 $0xFFFFE700  }
0x6e: {  	_ =	swait.ge [sflag:s26], $0x1900  }
0x6f: {  	[sflag:s26] =	ssyncset.done $0x0  }
0x70: {  	[sflag:s26] =	ssyncadd.s32 $0xFFFFE700  }
0x71: {  	_ =	swait.ge [sflag:s26], $0x1900  }
0x72: {  	[sflag:s26] =	ssyncset.done $0x0  }
0x73: {  	[sflag:s26] =	ssyncadd.s32 $0xFFFFE700  }
0x74: {  	_ =	swait.ge [sflag:s26], $0x1900  }
0x75: {  	[sflag:s26] =	ssyncset.done $0x0  }
0x76: {  	[sflag:s26] =	ssyncadd.s32 $0xFFFFE700  }
0x77: {  	_ =	swait.ge [sflag:s26], $0x1900  }
0x78: {  	[sflag:s26] =	ssyncset.done $0x0  }
0x79: {  	s4 =	sadd.s32 $0x1C00, s6;
	[sflag:s26] =	ssyncadd.s32 $0xFFFFE700  }
0x7a: {  	[hbm4b:s4+s2] =	stream.linear.scatter [tilespmem:s18], [sflag:$0x4], $0x1900, $0x38;
	v63 =	vld [tilespmem:$0x0]  }
0x7b: {  	s5 =	sadd.s32 $0x1F80, s6  }
0x7c: {  	[hbm4b:s5+s2] =	stream.linear.scatter [tilespmem:s19], [sflag:$0x4], $0x1900, $0x38;
	v63 =	vld [tilespmem:$0x0]  }
0x7d: {  	s7 =	sadd.s32 $0x2300, s6  }
0x7e: {  	[hbm4b:s7+s2] =	stream.linear.scatter [tilespmem:s20], [sflag:$0x4], $0x1900, $0x38;
	v63 =	vld [tilespmem:$0x0]  }
0x7f: {  	s3 =	sadd.s32 $0x2680, s6  }
0x80: {  	[hbm4b:s3+s2] =	stream.linear.scatter [tilespmem:s21], [sflag:$0x4], $0x1900, $0x38;
	v63 =	vld [tilespmem:$0x0]  }
0x81: {  	p6 =	por $0x0, $0x0;
	s31 =	sadd.s32 $0x3800, s6;
	s4 =	sadd.s32 $0x2A00, s6  }
0x82: {  	[hbm4b:s4+s2] =	stream.linear.scatter [tilespmem:s22], [sflag:$0x4], $0x1900, $0x38;
	v63 =	vld [tilespmem:$0x0]  }
0x83: {  	s0 =	simm.s32 $0x2000;
	p0 =	por p6, p6;
	s5 =	sadd.s32 $0x2D80, s6  }
0x84: {  	[hbm4b:s5+s2] =	stream.linear.scatter [tilespmem:s23], [sflag:$0x4], $0x1900, $0x38;
	v63 =	vld [tilespmem:$0x0]  }
0x85: {  	s7 =	sadd.s32 $0x3100, s6;
	s3 =	simm.s32 $0x4000;
	s4 =	sadd.s32 $0x3480, s6  }
0x86: {  	[hbm4b:s7+s2] =	stream.linear.scatter [tilespmem:s24], [sflag:$0x4], $0x1900, $0x38;
	v63 =	vld [tilespmem:$0x0]  }
.LBB2_2:
0x87: {  	[hbm4b:s4+s2] =	stream.linear.scatter [tilespmem:s25], [sflag:$0x4], $0x1900, $0x38;
	v63 =	vld [tilespmem:$0x0]  }
0x88: {  	s5 =	smov.u32 s3  }
0x89: {  	s3 =	sadd.s32 $0x2000, s3;
	s4 =	simm.s32 @!p0 $0x3;
	p2 =	seq.s32 s5, $0x0  }
0x8a: {  	p1 =	sne.s32 s3, $0x10000;
	_ =	swait.ge @!p0 [sflag:s4], $0xC800  }
0x8b: {  	[sflag:s4] =	ssyncset.done @!p0 $0x0  }
0x8c: {  	[sflag:s4] =	ssyncadd.s32 @!p0 $0xFFFF3800;
	s4 =	sshra.s32 s0, $0x2;
	s0 =	smov.u32 s5  }
0x8d: {  	[tilespmem:s9], [sflag:$0x1] =	stream.indirect.gather [hbm4b:s1+s8], $0x80, s4, s8, $0xb8;
	v63 =	vld [tilespmem:$0x0]  }
0x8e: {  	s5 =	sadd.s32 $0x80, s4  }
0x8f: {  	[tilespmem:s10], [sflag:$0x1] =	stream.indirect.gather [hbm4b:s1+s8], $0x80, s5, s8, $0xb8;
	v63 =	vld [tilespmem:$0x0]  }
0x90: {  	s5 =	sadd.s32 $0x100, s4  }
0x91: {  	[tilespmem:s11], [sflag:$0x1] =	stream.indirect.gather [hbm4b:s1+s8], $0x80, s5, s8, $0xb8;
	v63 =	vld [tilespmem:$0x0]  }
0x92: {  	s5 =	sadd.s32 $0x180, s4  }
0x93: {  	[tilespmem:s12], [sflag:$0x1] =	stream.indirect.gather [hbm4b:s1+s8], $0x80, s5, s8, $0xb8;
	v63 =	vld [tilespmem:$0x0]  }
0x94: {  	s5 =	sadd.s32 $0x200, s4  }
0x95: {  	[tilespmem:s13], [sflag:$0x1] =	stream.indirect.gather [hbm4b:s1+s8], $0x80, s5, s8, $0xb8;
	v63 =	vld [tilespmem:$0x0]  }
0x96: {  	s5 =	sadd.s32 $0x280, s4  }
0x97: {  	[tilespmem:s14], [sflag:$0x1] =	stream.indirect.gather [hbm4b:s1+s8], $0x80, s5, s8, $0xb8;
	v63 =	vld [tilespmem:$0x0]  }
0x98: {  	s5 =	sadd.s32 $0x300, s4  }
0x99: {  	[tilespmem:s15], [sflag:$0x1] =	stream.indirect.gather [hbm4b:s1+s8], $0x80, s5, s8, $0xb8;
	v63 =	vld [tilespmem:$0x0]  }
0x9a: {  	s5 =	sadd.s32 $0x380, s4  }
0x9b: {  	[tilespmem:s16], [sflag:$0x1] =	stream.indirect.gather [hbm4b:s1+s8], $0x80, s5, s8, $0xb8;
	v63 =	vld [tilespmem:$0x0]  }
0x9c: {  	_ =	swait.ge [sflag:s17], $0x1900  }
0x9d: {  	[sflag:s17] =	ssyncset.done $0x0  }
0x9e: {  	[sflag:s17] =	ssyncadd.s32 $0xFFFFE700  }
0x9f: {  	_ =	swait.ge [sflag:s17], $0x1900  }
0xa0: {  	[sflag:s17] =	ssyncset.done $0x0  }
0xa1: {  	[sflag:s17] =	ssyncadd.s32 $0xFFFFE700  }
0xa2: {  	_ =	swait.ge [sflag:s17], $0x1900  }
0xa3: {  	[sflag:s17] =	ssyncset.done $0x0  }
0xa4: {  	[sflag:s17] =	ssyncadd.s32 $0xFFFFE700  }
0xa5: {  	_ =	swait.ge [sflag:s17], $0x1900  }
0xa6: {  	[sflag:s17] =	ssyncset.done $0x0  }
0xa7: {  	[sflag:s17] =	ssyncadd.s32 $0xFFFFE700  }
0xa8: {  	_ =	swait.ge [sflag:s17], $0x1900  }
0xa9: {  	[sflag:s17] =	ssyncset.done $0x0  }
0xaa: {  	[sflag:s17] =	ssyncadd.s32 $0xFFFFE700  }
0xab: {  	_ =	swait.ge [sflag:s17], $0x1900  }
0xac: {  	[sflag:s17] =	ssyncset.done $0x0  }
0xad: {  	[sflag:s17] =	ssyncadd.s32 $0xFFFFE700  }
0xae: {  	_ =	swait.ge [sflag:s17], $0x1900  }
0xaf: {  	[sflag:s17] =	ssyncset.done $0x0  }
0xb0: {  	[sflag:s17] =	ssyncadd.s32 $0xFFFFE700  }
0xb1: {  	_ =	swait.ge [sflag:s17], $0x1900  }
0xb2: {  	[sflag:s17] =	ssyncset.done $0x0  }
0xb3: {  	[sflag:s17] =	ssyncadd.s32 $0xFFFFE700  }
0xb4: {  	[hbm4b:s31+s2] =	stream.linear.scatter [tilespmem:s9], [sflag:$0x3], $0x1900, $0x38;
	v63 =	vld [tilespmem:$0x0]  }
0xb5: {  	s5 =	sadd.s32 $0x380, s31  }
0xb6: {  	[hbm4b:s5+s2] =	stream.linear.scatter [tilespmem:s10], [sflag:$0x3], $0x1900, $0x38;
	v63 =	vld [tilespmem:$0x0]  }
0xb7: {  	s5 =	sadd.s32 $0x700, s31  }
0xb8: {  	[hbm4b:s5+s2] =	stream.linear.scatter [tilespmem:s11], [sflag:$0x3], $0x1900, $0x38;
	v63 =	vld [tilespmem:$0x0]  }
0xb9: {  	s5 =	sadd.s32 $0xA80, s31  }
0xba: {  	[hbm4b:s5+s2] =	stream.linear.scatter [tilespmem:s12], [sflag:$0x3], $0x1900, $0x38;
	v63 =	vld [tilespmem:$0x0]  }
0xbb: {  	s5 =	sadd.s32 $0xE00, s31  }
0xbc: {  	[hbm4b:s5+s2] =	stream.linear.scatter [tilespmem:s13], [sflag:$0x3], $0x1900, $0x38;
	v63 =	vld [tilespmem:$0x0]  }
0xbd: {  	s5 =	sadd.s32 $0x1180, s31  }
0xbe: {  	[hbm4b:s5+s2] =	stream.linear.scatter [tilespmem:s14], [sflag:$0x3], $0x1900, $0x38;
	v63 =	vld [tilespmem:$0x0]  }
0xbf: {  	s5 =	sadd.s32 $0x1500, s31  }
0xc0: {  	[hbm4b:s5+s2] =	stream.linear.scatter [tilespmem:s15], [sflag:$0x3], $0x1900, $0x38;
	v63 =	vld [tilespmem:$0x0]  }
0xc1: {  	s7 =	simm.s32 @!p0 $0x4;
	s5 =	sadd.s32 $0x1880, s31  }
0xc2: {  	[hbm4b:s5+s2] =	stream.linear.scatter [tilespmem:s16], [sflag:$0x3], $0x1900, $0x38;
	v63 =	vld [tilespmem:$0x0]  }
0xc3: {  	_ =	swait.ge @!p0 [sflag:s7], $0xC800  }
0xc4: {  	[sflag:s7] =	ssyncset.done @!p0 $0x0  }
0xc5: {  	s5 =	sadd.s32 $0x400, s4;
	[sflag:s7] =	ssyncadd.s32 @!p0 $0xFFFF3800;
	p0 =	por p2, p2  }
0xc6: {  	[tilespmem:s18], [sflag:$0x2] =	stream.indirect.gather [hbm4b:s1+s8], $0x80, s5, s8, $0xb8;
	v63 =	vld [tilespmem:$0x0]  }
0xc7: {  	s5 =	sadd.s32 $0x480, s4  }
0xc8: {  	[tilespmem:s19], [sflag:$0x2] =	stream.indirect.gather [hbm4b:s1+s8], $0x80, s5, s8, $0xb8;
	v63 =	vld [tilespmem:$0x0]  }
0xc9: {  	s5 =	sadd.s32 $0x500, s4  }
0xca: {  	[tilespmem:s20], [sflag:$0x2] =	stream.indirect.gather [hbm4b:s1+s8], $0x80, s5, s8, $0xb8;
	v63 =	vld [tilespmem:$0x0]  }
0xcb: {  	s5 =	sadd.s32 $0x580, s4  }
0xcc: {  	[tilespmem:s21], [sflag:$0x2] =	stream.indirect.gather [hbm4b:s1+s8], $0x80, s5, s8, $0xb8;
	v63 =	vld [tilespmem:$0x0]  }
0xcd: {  	s5 =	sadd.s32 $0x600, s4  }
0xce: {  	[tilespmem:s22], [sflag:$0x2] =	stream.indirect.gather [hbm4b:s1+s8], $0x80, s5, s8, $0xb8;
	v63 =	vld [tilespmem:$0x0]  }
0xcf: {  	s5 =	sadd.s32 $0x680, s4  }
0xd0: {  	[tilespmem:s23], [sflag:$0x2] =	stream.indirect.gather [hbm4b:s1+s8], $0x80, s5, s8, $0xb8;
	v63 =	vld [tilespmem:$0x0]  }
0xd1: {  	s5 =	sadd.s32 $0x700, s4  }
0xd2: {  	[tilespmem:s24], [sflag:$0x2] =	stream.indirect.gather [hbm4b:s1+s8], $0x80, s5, s8, $0xb8;
	v63 =	vld [tilespmem:$0x0]  }
0xd3: {  	s4 =	sadd.s32 $0x780, s4  }
0xd4: {  	[tilespmem:s25], [sflag:$0x2] =	stream.indirect.gather [hbm4b:s1+s8], $0x80, s4, s8, $0xb8;
	v63 =	vld [tilespmem:$0x0]  }
0xd5: {  	_ =	swait.ge [sflag:s26], $0x1900  }
0xd6: {  	[sflag:s26] =	ssyncset.done $0x0  }
0xd7: {  	[sflag:s26] =	ssyncadd.s32 $0xFFFFE700  }
0xd8: {  	_ =	swait.ge [sflag:s26], $0x1900  }
0xd9: {  	[sflag:s26] =	ssyncset.done $0x0  }
0xda: {  	[sflag:s26] =	ssyncadd.s32 $0xFFFFE700  }
0xdb: {  	_ =	swait.ge [sflag:s26], $0x1900  }
0xdc: {  	[sflag:s26] =	ssyncset.done $0x0  }
0xdd: {  	[sflag:s26] =	ssyncadd.s32 $0xFFFFE700  }
0xde: {  	_ =	swait.ge [sflag:s26], $0x1900  }
0xdf: {  	[sflag:s26] =	ssyncset.done $0x0  }
0xe0: {  	[sflag:s26] =	ssyncadd.s32 $0xFFFFE700  }
0xe1: {  	_ =	swait.ge [sflag:s26], $0x1900  }
0xe2: {  	[sflag:s26] =	ssyncset.done $0x0  }
0xe3: {  	[sflag:s26] =	ssyncadd.s32 $0xFFFFE700  }
0xe4: {  	_ =	swait.ge [sflag:s26], $0x1900  }
0xe5: {  	[sflag:s26] =	ssyncset.done $0x0  }
0xe6: {  	[sflag:s26] =	ssyncadd.s32 $0xFFFFE700  }
0xe7: {  	_ =	swait.ge [sflag:s26], $0x1900  }
0xe8: {  	[sflag:s26] =	ssyncset.done $0x0  }
0xe9: {  	[sflag:s26] =	ssyncadd.s32 $0xFFFFE700  }
0xea: {  	_ =	swait.ge [sflag:s26], $0x1900  }
0xeb: {  	[sflag:s26] =	ssyncset.done $0x0  }
0xec: {  	s4 =	sadd.s32 $0x1C00, s31;
	[sflag:s26] =	ssyncadd.s32 $0xFFFFE700  }
0xed: {  	[hbm4b:s4+s2] =	stream.linear.scatter [tilespmem:s18], [sflag:$0x4], $0x1900, $0x38;
	v63 =	vld [tilespmem:$0x0]  }
0xee: {  	s4 =	sadd.s32 $0x1F80, s31  }
0xef: {  	[hbm4b:s4+s2] =	stream.linear.scatter [tilespmem:s19], [sflag:$0x4], $0x1900, $0x38;
	v63 =	vld [tilespmem:$0x0]  }
0xf0: {  	s4 =	sadd.s32 $0x2300, s31  }
0xf1: {  	[hbm4b:s4+s2] =	stream.linear.scatter [tilespmem:s20], [sflag:$0x4], $0x1900, $0x38;
	v63 =	vld [tilespmem:$0x0]  }
0xf2: {  	s4 =	sadd.s32 $0x2680, s31  }
0xf3: {  	[hbm4b:s4+s2] =	stream.linear.scatter [tilespmem:s21], [sflag:$0x4], $0x1900, $0x38;
	v63 =	vld [tilespmem:$0x0]  }
0xf4: {  	s4 =	sadd.s32 $0x2A00, s31  }
0xf5: {  	[hbm4b:s4+s2] =	stream.linear.scatter [tilespmem:s22], [sflag:$0x4], $0x1900, $0x38;
	v63 =	vld [tilespmem:$0x0]  }
.Ltmp0:
0xf6: {  	s4 =	sadd.s32 $0x2D80, s31;
	(pc) =	sbr.rel @p1 .LBB2_2-.Ltmp0, $4  }
0xf7: {  	[hbm4b:s4+s2] =	stream.linear.scatter [tilespmem:s23], [sflag:$0x4], $0x1900, $0x38;
	v63 =	vld [tilespmem:$0x0]  }
0xf8: {  	s4 =	sadd.s32 $0x3100, s31  }
0xf9: {  	[hbm4b:s4+s2] =	stream.linear.scatter [tilespmem:s24], [sflag:$0x4], $0x1900, $0x38;
	v63 =	vld [tilespmem:$0x0]  }
0xfa: {  	s4 =	sadd.s32 $0x3480, s31;
	s31 =	sadd.s32 $0x3800, s31  }
0xfb: {  	[hbm4b:s4+s2] =	stream.linear.scatter [tilespmem:s25], [sflag:$0x4], $0x1900, $0x38;
	v63 =	vld [tilespmem:$0x0]  }
0xfc: {  	s3 =	simm.s32 @!p0 $0x3  }
0xfd: {  	_ =	swait.ge @!p0 [sflag:s3], $0xC800  }
0xfe: {  	[sflag:s3] =	ssyncset.done @!p0 $0x0  }
0xff: {  	s0 =	sshra.s32 s0, $0x2;
	[sflag:s3] =	ssyncadd.s32 @!p0 $0xFFFF3800  }
0x100: {  	[tilespmem:s9], [sflag:$0x1] =	stream.indirect.gather [hbm4b:s1+s8], $0x80, s0, s8, $0xb8;
	v63 =	vld [tilespmem:$0x0]  }
0x101: {  	s4 =	sadd.s32 $0x80, s0  }
0x102: {  	[tilespmem:s10], [sflag:$0x1] =	stream.indirect.gather [hbm4b:s1+s8], $0x80, s4, s8, $0xb8;
	v63 =	vld [tilespmem:$0x0]  }
0x103: {  	s5 =	sadd.s32 $0x100, s0  }
0x104: {  	[tilespmem:s11], [sflag:$0x1] =	stream.indirect.gather [hbm4b:s1+s8], $0x80, s5, s8, $0xb8;
	v63 =	vld [tilespmem:$0x0]  }
0x105: {  	s7 =	sadd.s32 $0x180, s0  }
0x106: {  	[tilespmem:s12], [sflag:$0x1] =	stream.indirect.gather [hbm4b:s1+s8], $0x80, s7, s8, $0xb8;
	v63 =	vld [tilespmem:$0x0]  }
0x107: {  	s4 =	sadd.s32 $0x200, s0  }
0x108: {  	[tilespmem:s13], [sflag:$0x1] =	stream.indirect.gather [hbm4b:s1+s8], $0x80, s4, s8, $0xb8;
	v63 =	vld [tilespmem:$0x0]  }
0x109: {  	s5 =	sadd.s32 $0x280, s0  }
0x10a: {  	[tilespmem:s14], [sflag:$0x1] =	stream.indirect.gather [hbm4b:s1+s8], $0x80, s5, s8, $0xb8;
	v63 =	vld [tilespmem:$0x0]  }
0x10b: {  	s7 =	sadd.s32 $0x300, s0  }
0x10c: {  	[tilespmem:s15], [sflag:$0x1] =	stream.indirect.gather [hbm4b:s1+s8], $0x80, s7, s8, $0xb8;
	v63 =	vld [tilespmem:$0x0]  }
0x10d: {  	s4 =	sadd.s32 $0x380, s0  }
0x10e: {  	[tilespmem:s16], [sflag:$0x1] =	stream.indirect.gather [hbm4b:s1+s8], $0x80, s4, s8, $0xb8;
	v63 =	vld [tilespmem:$0x0]  }
0x10f: {  	_ =	swait.ge [sflag:s17], $0x1900  }
0x110: {  	[sflag:s17] =	ssyncset.done $0x0  }
0x111: {  	[sflag:s17] =	ssyncadd.s32 $0xFFFFE700  }
0x112: {  	_ =	swait.ge [sflag:s17], $0x1900  }
0x113: {  	[sflag:s17] =	ssyncset.done $0x0  }
0x114: {  	[sflag:s17] =	ssyncadd.s32 $0xFFFFE700  }
0x115: {  	_ =	swait.ge [sflag:s17], $0x1900  }
0x116: {  	[sflag:s17] =	ssyncset.done $0x0  }
0x117: {  	[sflag:s17] =	ssyncadd.s32 $0xFFFFE700  }
0x118: {  	_ =	swait.ge [sflag:s17], $0x1900  }
0x119: {  	[sflag:s17] =	ssyncset.done $0x0  }
0x11a: {  	[sflag:s17] =	ssyncadd.s32 $0xFFFFE700  }
0x11b: {  	_ =	swait.ge [sflag:s17], $0x1900  }
0x11c: {  	[sflag:s17] =	ssyncset.done $0x0  }
0x11d: {  	[sflag:s17] =	ssyncadd.s32 $0xFFFFE700  }
0x11e: {  	_ =	swait.ge [sflag:s17], $0x1900  }
0x11f: {  	[sflag:s17] =	ssyncset.done $0x0  }
0x120: {  	[sflag:s17] =	ssyncadd.s32 $0xFFFFE700  }
0x121: {  	_ =	swait.ge [sflag:s17], $0x1900  }
0x122: {  	[sflag:s17] =	ssyncset.done $0x0  }
0x123: {  	[sflag:s17] =	ssyncadd.s32 $0xFFFFE700  }
0x124: {  	_ =	swait.ge [sflag:s17], $0x1900  }
0x125: {  	[sflag:s17] =	ssyncset.done $0x0  }
0x126: {  	[sflag:s17] =	ssyncadd.s32 $0xFFFFE700  }
0x127: {  	[hbm4b:s31+s2] =	stream.linear.scatter [tilespmem:s9], [sflag:$0x3], $0x1900, $0x38;
	v63 =	vld [tilespmem:$0x0]  }
0x128: {  	s5 =	sadd.s32 $0x380, s31  }
0x129: {  	[hbm4b:s5+s2] =	stream.linear.scatter [tilespmem:s10], [sflag:$0x3], $0x1900, $0x38;
	v63 =	vld [tilespmem:$0x0]  }
0x12a: {  	s7 =	sadd.s32 $0x700, s31  }
0x12b: {  	[hbm4b:s7+s2] =	stream.linear.scatter [tilespmem:s11], [sflag:$0x3], $0x1900, $0x38;
	v63 =	vld [tilespmem:$0x0]  }
0x12c: {  	s4 =	sadd.s32 $0xA80, s31  }
0x12d: {  	[hbm4b:s4+s2] =	stream.linear.scatter [tilespmem:s12], [sflag:$0x3], $0x1900, $0x38;
	v63 =	vld [tilespmem:$0x0]  }
0x12e: {  	s5 =	sadd.s32 $0xE00, s31  }
0x12f: {  	[hbm4b:s5+s2] =	stream.linear.scatter [tilespmem:s13], [sflag:$0x3], $0x1900, $0x38;
	v63 =	vld [tilespmem:$0x0]  }
0x130: {  	s7 =	sadd.s32 $0x1180, s31  }
0x131: {  	[hbm4b:s7+s2] =	stream.linear.scatter [tilespmem:s14], [sflag:$0x3], $0x1900, $0x38;
	v63 =	vld [tilespmem:$0x0]  }
0x132: {  	s4 =	sadd.s32 $0x1500, s31  }
0x133: {  	[hbm4b:s4+s2] =	stream.linear.scatter [tilespmem:s15], [sflag:$0x3], $0x1900, $0x38;
	v63 =	vld [tilespmem:$0x0]  }
0x134: {  	s3 =	simm.s32 @!p0 $0x4;
	s5 =	sadd.s32 $0x1880, s31  }
0x135: {  	[hbm4b:s5+s2] =	stream.linear.scatter [tilespmem:s16], [sflag:$0x3], $0x1900, $0x38;
	v63 =	vld [tilespmem:$0x0]  }
0x136: {  	_ =	swait.ge @!p0 [sflag:s3], $0xC800  }
0x137: {  	[sflag:s3] =	ssyncset.done @!p0 $0x0  }
0x138: {  	s7 =	sadd.s32 $0x400, s0;
	[sflag:s3] =	ssyncadd.s32 @!p0 $0xFFFF3800  }
0x139: {  	[tilespmem:s18], [sflag:$0x2] =	stream.indirect.gather [hbm4b:s1+s8], $0x80, s7, s8, $0xb8;
	v63 =	vld [tilespmem:$0x0]  }
0x13a: {  	s4 =	sadd.s32 $0x480, s0  }
0x13b: {  	[tilespmem:s19], [sflag:$0x2] =	stream.indirect.gather [hbm4b:s1+s8], $0x80, s4, s8, $0xb8;
	v63 =	vld [tilespmem:$0x0]  }
0x13c: {  	s5 =	sadd.s32 $0x500, s0  }
0x13d: {  	[tilespmem:s20], [sflag:$0x2] =	stream.indirect.gather [hbm4b:s1+s8], $0x80, s5, s8, $0xb8;
	v63 =	vld [tilespmem:$0x0]  }
0x13e: {  	s7 =	sadd.s32 $0x580, s0  }
0x13f: {  	[tilespmem:s21], [sflag:$0x2] =	stream.indirect.gather [hbm4b:s1+s8], $0x80, s7, s8, $0xb8;
	v63 =	vld [tilespmem:$0x0]  }
0x140: {  	s4 =	sadd.s32 $0x600, s0  }
0x141: {  	[tilespmem:s22], [sflag:$0x2] =	stream.indirect.gather [hbm4b:s1+s8], $0x80, s4, s8, $0xb8;
	v63 =	vld [tilespmem:$0x0]  }
0x142: {  	s5 =	sadd.s32 $0x680, s0  }
0x143: {  	[tilespmem:s23], [sflag:$0x2] =	stream.indirect.gather [hbm4b:s1+s8], $0x80, s5, s8, $0xb8;
	v63 =	vld [tilespmem:$0x0]  }
0x144: {  	s7 =	sadd.s32 $0x700, s0  }
0x145: {  	[tilespmem:s24], [sflag:$0x2] =	stream.indirect.gather [hbm4b:s1+s8], $0x80, s7, s8, $0xb8;
	v63 =	vld [tilespmem:$0x0]  }
0x146: {  	s0 =	sadd.s32 $0x780, s0  }
0x147: {  	[tilespmem:s25], [sflag:$0x2] =	stream.indirect.gather [hbm4b:s1+s8], $0x80, s0, s8, $0xb8;
	v63 =	vld [tilespmem:$0x0]  }
0x148: {  	_ =	swait.ge [sflag:s26], $0x1900  }
0x149: {  	[sflag:s26] =	ssyncset.done $0x0  }
0x14a: {  	[sflag:s26] =	ssyncadd.s32 $0xFFFFE700  }
0x14b: {  	_ =	swait.ge [sflag:s26], $0x1900  }
0x14c: {  	[sflag:s26] =	ssyncset.done $0x0  }
0x14d: {  	[sflag:s26] =	ssyncadd.s32 $0xFFFFE700  }
0x14e: {  	_ =	swait.ge [sflag:s26], $0x1900  }
0x14f: {  	[sflag:s26] =	ssyncset.done $0x0  }
0x150: {  	[sflag:s26] =	ssyncadd.s32 $0xFFFFE700  }
0x151: {  	_ =	swait.ge [sflag:s26], $0x1900  }
0x152: {  	[sflag:s26] =	ssyncset.done $0x0  }
0x153: {  	[sflag:s26] =	ssyncadd.s32 $0xFFFFE700  }
0x154: {  	_ =	swait.ge [sflag:s26], $0x1900  }
0x155: {  	[sflag:s26] =	ssyncset.done $0x0  }
0x156: {  	[sflag:s26] =	ssyncadd.s32 $0xFFFFE700  }
0x157: {  	_ =	swait.ge [sflag:s26], $0x1900  }
0x158: {  	[sflag:s26] =	ssyncset.done $0x0  }
0x159: {  	[sflag:s26] =	ssyncadd.s32 $0xFFFFE700  }
0x15a: {  	_ =	swait.ge [sflag:s26], $0x1900  }
0x15b: {  	[sflag:s26] =	ssyncset.done $0x0  }
0x15c: {  	[sflag:s26] =	ssyncadd.s32 $0xFFFFE700  }
0x15d: {  	_ =	swait.ge [sflag:s26], $0x1900  }
0x15e: {  	[sflag:s26] =	ssyncset.done $0x0  }
0x15f: {  	s3 =	sadd.s32 $0x1C00, s31;
	[sflag:s26] =	ssyncadd.s32 $0xFFFFE700  }
0x160: {  	[hbm4b:s3+s2] =	stream.linear.scatter [tilespmem:s18], [sflag:$0x4], $0x1900, $0x38;
	v63 =	vld [tilespmem:$0x0]  }
0x161: {  	s4 =	sadd.s32 $0x1F80, s31  }
0x162: {  	[hbm4b:s4+s2] =	stream.linear.scatter [tilespmem:s19], [sflag:$0x4], $0x1900, $0x38;
	v63 =	vld [tilespmem:$0x0]  }
0x163: {  	s5 =	sadd.s32 $0x2300, s31  }
0x164: {  	[hbm4b:s5+s2] =	stream.linear.scatter [tilespmem:s20], [sflag:$0x4], $0x1900, $0x38;
	v63 =	vld [tilespmem:$0x0]  }
0x165: {  	s7 =	sadd.s32 $0x2680, s31  }
0x166: {  	[hbm4b:s7+s2] =	stream.linear.scatter [tilespmem:s21], [sflag:$0x4], $0x1900, $0x38;
	v63 =	vld [tilespmem:$0x0]  }
0x167: {  	s3 =	sadd.s32 $0x2A00, s31  }
0x168: {  	[hbm4b:s3+s2] =	stream.linear.scatter [tilespmem:s22], [sflag:$0x4], $0x1900, $0x38;
	v63 =	vld [tilespmem:$0x0]  }
0x169: {  	s4 =	sadd.s32 $0x2D80, s31  }
0x16a: {  	[hbm4b:s4+s2] =	stream.linear.scatter [tilespmem:s23], [sflag:$0x4], $0x1900, $0x38;
	v63 =	vld [tilespmem:$0x0]  }
0x16b: {  	s5 =	sadd.s32 $0x3100, s31  }
0x16c: {  	[hbm4b:s5+s2] =	stream.linear.scatter [tilespmem:s24], [sflag:$0x4], $0x1900, $0x38;
	v63 =	vld [tilespmem:$0x0]  }
0x16d: {  	s7 =	sadd.s32 $0x3480, s31  }
0x16e: {  	[hbm4b:s7+s2] =	stream.linear.scatter [tilespmem:s25], [sflag:$0x4], $0x1900, $0x38;
	v63 =	vld [tilespmem:$0x0]  }
0x16f: {  	_ =	swait.ge [sflag:s28], $0xC800  }
0x170: {  	[sflag:s28] =	ssyncset.done $0x0  }
0x171: {  	[sflag:s28] =	ssyncadd.s32 $0xFFFF3800  }
0x172: {  	_ =	swait.ge [sflag:s29], $0xC800  }
0x173: {  	s30 =	sadd.s32 $0x1, s30;
	s31 =	rddreg [dreg:$0x5]  }
0x174: {  	p0 =	sne.s32 s30, s31  }
.Ltmp1:
0x175: {  	_ = 	snop;
	(pc) =	sbr.rel @p0 .LBB2_1-.Ltmp1, $3  }
0x176: {  	_ =	sdelay $0x1  }
0x177: {  	[sflag:s29] =	ssyncset.done $0x0  }
0x178: {  	[sflag:s29] =	ssyncadd.s32 $0xFFFF3800  }
0x179: {  	_ =	sfence.sel $0x180000  }
0x17a: {  	[bflag:$0x0] =	sbarrier.arrive $0xFFFF  }
0x17b: {  	_ =	strace $0x90000047  }
0x17c: {  	s0 =	stileid.u32;
	[bflag:$0x2] =	sbarrier.arrive $0xFFFF  }
0x17d: {  	p0 =	sne.s32 s0, $0x0;
	s0 =	rddreg [dreg:$0x3]  }
0x17e: {  	s0 =	sadd.s32 @!p0 $0x100000, s0  }
0x17f: {  	[sflag:s0] =	ssyncadd.tile.s32 @!p0 $0x1;
	_ =	shalt  }
.Lfunc_end2:
_tile_overlayer_lowered:
.L_overlay_start_2:
0x180: {  	(tag) =	ssettag $0x2  }
0x181: {  	s0 =	rddreg [dreg:$0x0];
	s2 =	stileid.u32  }
0x182: {  	s1 =	rddreg [dreg:$0x1];
	p0 =	sne.s32 s2, $0x0  }
0x183: {  	s3 =	rddreg [dreg:$0x2];
	[bflag:$0x3] =	sbarrier.arrive $0xFFFF;
	s2 =	simm.s32 @!p0 $0x1C05  }
0x184: {  	[timem:s3], [sflag:s2] =	dma.local @!p0 [hbm:s0], s1  }
0x185: {  	s0 =	simm.s32 @!p0 $0x5  }
0x186: {  	_ =	swait.ge @!p0 [sflag:s0], s1  }
0x187: {  	s1 =	ssub.s32 @!p0 $0x0, s1;
	[sflag:s0] =	ssyncset.done @!p0 $0x0  }
0x188: {  	[sflag:s0] =	ssyncadd.s32 @!p0 s1  }
0x189: {  	[bflag:$0x3] =	sbarrier.arrive $0xFFFF  }
0x18a: {  	_ =	shalt  }

</sc_bundles>
